<compile_context>
chip_gen: v7x
topology: tpu7x:2x2x1
jax: 0.10.2.dev20260603
libtpu: 0.0.44.dev20260713+nightly
codegen_flags: <defaults>
</compile_context>

<pallas_src>
import jax
import jax.numpy as jnp
from jax import lax
from jax.experimental import pallas as pl
from jax.experimental.pallas import tpu as pltpu
from jax.experimental.pallas import tpu_sc as plsc

_N = 65536
_NC = 2
_NS = 16
_NW = _NC * _NS
_L = 16
_ROWS = _N // _NW
_STEPS = _ROWS // _L


def _sc_body(ct_hbm, rt_hbm, tt_hbm,
             part_hbm, out_hbm, pos_hbm, neg_hbm,
             c0_v, c1_v, t0_v, t1_v, t2_v, t3_v, t4_v,
             r0_v, r1_v, r2_v, r3_v,
             pos_v, neg_v, part_v, sem):
    wid = lax.axis_index("s") * _NC + lax.axis_index("c")
    base = wid * _ROWS

    cps = [
        pltpu.async_copy(ct_hbm.at[pl.ds(0, 1), pl.ds(base, _ROWS)], c0_v, sem),
        pltpu.async_copy(ct_hbm.at[pl.ds(1, 1), pl.ds(base, _ROWS)], c1_v, sem),
        pltpu.async_copy(tt_hbm.at[pl.ds(0, 1), pl.ds(base, _ROWS)], t0_v, sem),
        pltpu.async_copy(tt_hbm.at[pl.ds(1, 1), pl.ds(base, _ROWS)], t1_v, sem),
        pltpu.async_copy(tt_hbm.at[pl.ds(2, 1), pl.ds(base, _ROWS)], t2_v, sem),
        pltpu.async_copy(tt_hbm.at[pl.ds(3, 1), pl.ds(base, _ROWS)], t3_v, sem),
        pltpu.async_copy(tt_hbm.at[pl.ds(4, 1), pl.ds(base, _ROWS)], t4_v, sem),
        pltpu.async_copy(rt_hbm.at[pl.ds(0, 1), pl.ds(base, _ROWS)], r0_v, sem),
        pltpu.async_copy(rt_hbm.at[pl.ds(1, 1), pl.ds(base, _ROWS)], r1_v, sem),
        pltpu.async_copy(rt_hbm.at[pl.ds(2, 1), pl.ds(base, _ROWS)], r2_v, sem),
        pltpu.async_copy(rt_hbm.at[pl.ds(3, 1), pl.ds(base, _ROWS)], r3_v, sem),
    ]
    for cp in cps:
        cp.wait()

    iota = lax.iota(jnp.int32, _L)
    zero = jnp.zeros((_L,), jnp.float32)

    def step(i, accs):
        acc_c, acc_r = accs
        s = pl.ds(i * _L, _L)
        c0 = c0_v[0, s]
        c1 = c1_v[0, s]
        t = t0_v[0, s]
        pos = t == 1.0

        m = jnp.maximum(c0, c1)
        d = jnp.abs(c0 - c1)
        u = jnp.exp(-d)
        z = u / (u + 2.0)
        z2 = z * z
        sp = (2.0 * z) * (1.0 + z2 * (
            0.33333333 + z2 * (0.2 + z2 * (0.14285714 + z2 * 0.11111111))))
        ct = jnp.where(pos, c1, c0)
        acc_c = acc_c + (m - ct) + sp

        posi = jnp.where(pos, 1, 0).astype(jnp.int32)
        pos_v[s] = posi
        neg_v[s] = 1 - posi

        s4 = zero
        for rv, tv in ((r0_v, t1_v), (r1_v, t2_v), (r2_v, t3_v), (r3_v, t4_v)):
            diff = rv[0, s] - tv[0, s]
            ad = jnp.abs(diff)
            s4 = s4 + jnp.where(ad < 1.0, (0.5 * diff) * diff, ad - 0.5)
        acc_r = acc_r + jnp.where(pos, s4, 0.0)
        return acc_c, acc_r

    acc_c, acc_r = lax.fori_loop(0, _STEPS, step, (zero, zero))

    cpart = jnp.sum(acc_c)
    rpart = jnp.sum(acc_r)
    part_v[...] = jnp.where(iota == 0, cpart, jnp.where(iota == 1, rpart, 0.0))

    ops = [
        pltpu.async_copy(t1_v, out_hbm.at[pl.ds(0, 1), pl.ds(base, _ROWS)], sem),
        pltpu.async_copy(t2_v, out_hbm.at[pl.ds(1, 1), pl.ds(base, _ROWS)], sem),
        pltpu.async_copy(t3_v, out_hbm.at[pl.ds(2, 1), pl.ds(base, _ROWS)], sem),
        pltpu.async_copy(t4_v, out_hbm.at[pl.ds(3, 1), pl.ds(base, _ROWS)], sem),
        pltpu.async_copy(pos_v, pos_hbm.at[pl.ds(base, _ROWS)], sem),
        pltpu.async_copy(neg_v, neg_hbm.at[pl.ds(base, _ROWS)], sem),
        pltpu.async_copy(part_v, part_hbm.at[pl.ds(wid * _L, _L)], sem),
    ]
    for op in ops:
        op.wait()


@jax.jit
def _sc_pass(ct, rt, tt):
    mesh = plsc.VectorSubcoreMesh(core_axis_name="c", subcore_axis_name="s",
                                  num_cores=_NC, num_subcores=_NS)
    fvec = pltpu.VMEM((1, _ROWS), jnp.float32)
    return pl.kernel(
        _sc_body,
        out_type=(
            jax.ShapeDtypeStruct((_NW * _L,), jnp.float32),
            jax.ShapeDtypeStruct((4, _N), jnp.float32),
            jax.ShapeDtypeStruct((_N,), jnp.int32),
            jax.ShapeDtypeStruct((_N,), jnp.int32),
        ),
        mesh=mesh,
        scratch_types=[fvec] * 11 + [
            pltpu.VMEM((_ROWS,), jnp.int32),
            pltpu.VMEM((_ROWS,), jnp.int32),
            pltpu.VMEM((_L,), jnp.float32),
            pltpu.SemaphoreType.DMA,
        ],
        compiler_params=pltpu.CompilerParams(needs_layout_passes=False),
    )(ct, rt, tt)


def _combine_body(p_ref, c_ref, r_ref, l_ref):
    c = 0.0
    r = 0.0
    for w in range(_NW):
        c = c + p_ref[w * _L]
        r = r + p_ref[w * _L + 1]
    c = c * (1.0 / 64.0)
    r = r * (1.0 / 64.0)
    c_ref[0, 0] = c
    r_ref[0, 0] = r
    l_ref[0, 0] = c + r


@jax.jit
def _combine(partials):
    s = jax.ShapeDtypeStruct((1, 1), jnp.float32)
    smem = pl.BlockSpec(memory_space=pltpu.SMEM)
    return pl.pallas_call(
        _combine_body,
        in_specs=[smem],
        out_shape=(s, s, s),
        out_specs=(smem, smem, smem),
    )(partials)


def kernel(cout, rout, targets):
    partials, rtT, pos_i, neg_i = _sc_pass(cout.T, rout.T, targets.T)
    closs, rloss, loss = _combine(partials)
    return (closs[0, 0], rloss[0, 0], loss[0, 0],
            rout, rtT.T,
            pos_i.astype(bool), neg_i.astype(bool))

# --- scband reference (transcript-rebuilt; emitter-appended) ---
"""Pipeline reference for scband-multi-box-loss-42417097016262 (READ-ONLY COPY).

The authoritative reference and input builder live on the scoring server;
editing this copy changes nothing except your own understanding.
"""

import jax, jax.numpy as jnp
import numpy as np

N = 65536

def setup_inputs(seed: int = 0) -> dict:
    key = jax.random.key(seed)
    k1, k2, k3, k4 = jax.random.split(key, 4)
    cout = jax.random.normal(k1, (N, 2), dtype=jnp.float32)
    rout = jax.random.normal(k2, (N, 4), dtype=jnp.float32)
    labels = jax.random.randint(k3, (N,), 0, 2).astype(jnp.float32)
    reg = jax.random.normal(k4, (N, 4), dtype=jnp.float32)
    targets = jnp.concatenate([labels[:, None], reg], axis=1)
    return {"cout": cout, "rout": rout, "targets": targets}

def reference(cout, rout, targets):
    class_pred = cout
    class_target = targets[:, 0].astype(jnp.int32)
    pos_mask = (class_target == 1)
    neg_mask = (class_target == 0)
    sel_mask = pos_mask | neg_mask
    # cross entropy per element over selected (pos + neg) indices
    logp = jax.nn.log_softmax(class_pred, axis=1)
    ce = -jnp.take_along_axis(logp, class_target[:, None], axis=1)[:, 0]
    closs = jnp.sum(jnp.where(sel_mask, ce, 0.0)) / 64.0
    # smooth l1 regression loss (beta=1, torch default)
    reg_pred = rout
    reg_target = targets[:, 1:]
    diff = reg_pred - reg_target
    ad = jnp.abs(diff)
    sl1 = jnp.where(ad < 1.0, 0.5 * diff * diff, ad - 0.5)
    rl = jnp.sum(sl1, axis=1) / 4.0
    rloss = jnp.sum(jnp.where(pos_mask, rl, 0.0)) / 16.0
    loss = closs + rloss
    return (closs, rloss, loss, reg_pred, reg_target, pos_mask, neg_mask)

if __name__ == "__main__":
    import jax
    _d = setup_inputs()
    print(jax.jit(kernel)(*tuple(_d.values())))

</pallas_src>

<mosaic_0001>
#map = affine_map<(d0, d1) -> (0, 0)>
#map1 = affine_map<(d0, d1) -> (0)>
module attributes {stable_mosaic.version = 14 : i64} {
  func.func @_sc_body(%arg0: i32, %arg1: i32, %arg2: memref<2x65536xf32, #tpu.memory_space<hbm>>, %arg3: memref<4x65536xf32, #tpu.memory_space<hbm>>, %arg4: memref<5x65536xf32, #tpu.memory_space<hbm>>, %arg5: memref<512xf32, #tpu.memory_space<hbm>>, %arg6: memref<4x65536xf32, #tpu.memory_space<hbm>>, %arg7: memref<65536xi32, #tpu.memory_space<hbm>>, %arg8: memref<65536xi32, #tpu.memory_space<hbm>>, %arg9: memref<1x2048xf32, #tpu.memory_space<vmem>>, %arg10: memref<1x2048xf32, #tpu.memory_space<vmem>>, %arg11: memref<1x2048xf32, #tpu.memory_space<vmem>>, %arg12: memref<1x2048xf32, #tpu.memory_space<vmem>>, %arg13: memref<1x2048xf32, #tpu.memory_space<vmem>>, %arg14: memref<1x2048xf32, #tpu.memory_space<vmem>>, %arg15: memref<1x2048xf32, #tpu.memory_space<vmem>>, %arg16: memref<1x2048xf32, #tpu.memory_space<vmem>>, %arg17: memref<1x2048xf32, #tpu.memory_space<vmem>>, %arg18: memref<1x2048xf32, #tpu.memory_space<vmem>>, %arg19: memref<1x2048xf32, #tpu.memory_space<vmem>>, %arg20: memref<2048xi32, #tpu.memory_space<vmem>>, %arg21: memref<2048xi32, #tpu.memory_space<vmem>>, %arg22: memref<16xf32, #tpu.memory_space<vmem>>, %arg23: memref<!tpu.dma_semaphore, #tpu.memory_space<semaphore_mem>>) attributes {dimension_semantics = [#tpu.dimension_semantics<core_parallel>, #tpu.dimension_semantics<subcore_parallel>], iteration_bounds = array<i64: 2, 16>, scalar_prefetch = 0 : i64, scratch_operands = 15 : i64, tpu.core_type = #tpu.core_type<sc_vector_subcore>, window_params = [{transform_indices = #map}, {transform_indices = #map}, {transform_indices = #map}, {transform_indices = #map1}, {transform_indices = #map}, {transform_indices = #map1}, {transform_indices = #map1}]} {
    %mul3A = arith.constant 2 : i32
    %mul3A_0 = arith.muli %arg1, %mul3A : i32
    %add3A = arith.addi %mul3A_0, %arg0 : i32
    %mul3A_1 = arith.constant 2048 : i32
    %mul3A_2 = arith.muli %add3A, %mul3A_1 : i32
    %dma_start3A = arith.constant 0 : i32
    %dma_start3A_3 = tpu.memref_slice %arg2[%dma_start3A, %mul3A_2] : memref<2x65536xf32, #tpu.memory_space<hbm>> -> memref<1x2048xf32, #tpu.memory_space<hbm>>
    %dma_start3A_4 = arith.constant 0 : i32
    %dma_start3A_5 = tpu.memref_slice %arg2[%dma_start3A_4, %mul3A_2] : memref<2x65536xf32, #tpu.memory_space<hbm>> -> memref<1x2048xf32, #tpu.memory_space<hbm>>
    tpu.enqueue_dma source(%dma_start3A_5 : memref<1x2048xf32, #tpu.memory_space<hbm>>) target(%arg9 : memref<1x2048xf32, #tpu.memory_space<vmem>>) target_semaphore(%arg23 : memref<!tpu.dma_semaphore, #tpu.memory_space<semaphore_mem>>)
    %dma_start3A_6 = arith.constant 1 : i32
    %dma_start3A_7 = tpu.memref_slice %arg2[%dma_start3A_6, %mul3A_2] : memref<2x65536xf32, #tpu.memory_space<hbm>> -> memref<1x2048xf32, #tpu.memory_space<hbm>>
    %dma_start3A_8 = arith.constant 1 : i32
    %dma_start3A_9 = tpu.memref_slice %arg2[%dma_start3A_8, %mul3A_2] : memref<2x65536xf32, #tpu.memory_space<hbm>> -> memref<1x2048xf32, #tpu.memory_space<hbm>>
    tpu.enqueue_dma source(%dma_start3A_9 : memref<1x2048xf32, #tpu.memory_space<hbm>>) target(%arg10 : memref<1x2048xf32, #tpu.memory_space<vmem>>) target_semaphore(%arg23 : memref<!tpu.dma_semaphore, #tpu.memory_space<semaphore_mem>>)
    %dma_start3A_10 = arith.constant 0 : i32
    %dma_start3A_11 = tpu.memref_slice %arg4[%dma_start3A_10, %mul3A_2] : memref<5x65536xf32, #tpu.memory_space<hbm>> -> memref<1x2048xf32, #tpu.memory_space<hbm>>
    %dma_start3A_12 = arith.constant 0 : i32
    %dma_start3A_13 = tpu.memref_slice %arg4[%dma_start3A_12, %mul3A_2] : memref<5x65536xf32, #tpu.memory_space<hbm>> -> memref<1x2048xf32, #tpu.memory_space<hbm>>
    tpu.enqueue_dma source(%dma_start3A_13 : memref<1x2048xf32, #tpu.memory_space<hbm>>) target(%arg11 : memref<1x2048xf32, #tpu.memory_space<vmem>>) target_semaphore(%arg23 : memref<!tpu.dma_semaphore, #tpu.memory_space<semaphore_mem>>)
    %dma_start3A_14 = arith.constant 1 : i32
    %dma_start3A_15 = tpu.memref_slice %arg4[%dma_start3A_14, %mul3A_2] : memref<5x65536xf32, #tpu.memory_space<hbm>> -> memref<1x2048xf32, #tpu.memory_space<hbm>>
    %dma_start3A_16 = arith.constant 1 : i32
    %dma_start3A_17 = tpu.memref_slice %arg4[%dma_start3A_16, %mul3A_2] : memref<5x65536xf32, #tpu.memory_space<hbm>> -> memref<1x2048xf32, #tpu.memory_space<hbm>>
    tpu.enqueue_dma source(%dma_start3A_17 : memref<1x2048xf32, #tpu.memory_space<hbm>>) target(%arg12 : memref<1x2048xf32, #tpu.memory_space<vmem>>) target_semaphore(%arg23 : memref<!tpu.dma_semaphore, #tpu.memory_space<semaphore_mem>>)
    %dma_start3A_18 = arith.constant 2 : i32
    %dma_start3A_19 = tpu.memref_slice %arg4[%dma_start3A_18, %mul3A_2] : memref<5x65536xf32, #tpu.memory_space<hbm>> -> memref<1x2048xf32, #tpu.memory_space<hbm>>
    %dma_start3A_20 = arith.constant 2 : i32
    %dma_start3A_21 = tpu.memref_slice %arg4[%dma_start3A_20, %mul3A_2] : memref<5x65536xf32, #tpu.memory_space<hbm>> -> memref<1x2048xf32, #tpu.memory_space<hbm>>
    tpu.enqueue_dma source(%dma_start3A_21 : memref<1x2048xf32, #tpu.memory_space<hbm>>) target(%arg13 : memref<1x2048xf32, #tpu.memory_space<vmem>>) target_semaphore(%arg23 : memref<!tpu.dma_semaphore, #tpu.memory_space<semaphore_mem>>)
    %dma_start3A_22 = arith.constant 3 : i32
    %dma_start3A_23 = tpu.memref_slice %arg4[%dma_start3A_22, %mul3A_2] : memref<5x65536xf32, #tpu.memory_space<hbm>> -> memref<1x2048xf32, #tpu.memory_space<hbm>>
    %dma_start3A_24 = arith.constant 3 : i32
    %dma_start3A_25 = tpu.memref_slice %arg4[%dma_start3A_24, %mul3A_2] : memref<5x65536xf32, #tpu.memory_space<hbm>> -> memref<1x2048xf32, #tpu.memory_space<hbm>>
    tpu.enqueue_dma source(%dma_start3A_25 : memref<1x2048xf32, #tpu.memory_space<hbm>>) target(%arg14 : memref<1x2048xf32, #tpu.memory_space<vmem>>) target_semaphore(%arg23 : memref<!tpu.dma_semaphore, #tpu.memory_space<semaphore_mem>>)
    %dma_start3A_26 = arith.constant 4 : i32
    %dma_start3A_27 = tpu.memref_slice %arg4[%dma_start3A_26, %mul3A_2] : memref<5x65536xf32, #tpu.memory_space<hbm>> -> memref<1x2048xf32, #tpu.memory_space<hbm>>
    %dma_start3A_28 = arith.constant 4 : i32
    %dma_start3A_29 = tpu.memref_slice %arg4[%dma_start3A_28, %mul3A_2] : memref<5x65536xf32, #tpu.memory_space<hbm>> -> memref<1x2048xf32, #tpu.memory_space<hbm>>
    tpu.enqueue_dma source(%dma_start3A_29 : memref<1x2048xf32, #tpu.memory_space<hbm>>) target(%arg15 : memref<1x2048xf32, #tpu.memory_space<vmem>>) target_semaphore(%arg23 : memref<!tpu.dma_semaphore, #tpu.memory_space<semaphore_mem>>)
    %dma_start3A_30 = arith.constant 0 : i32
    %dma_start3A_31 = tpu.memref_slice %arg3[%dma_start3A_30, %mul3A_2] : memref<4x65536xf32, #tpu.memory_space<hbm>> -> memref<1x2048xf32, #tpu.memory_space<hbm>>
    %dma_start3A_32 = arith.constant 0 : i32
    %dma_start3A_33 = tpu.memref_slice %arg3[%dma_start3A_32, %mul3A_2] : memref<4x65536xf32, #tpu.memory_space<hbm>> -> memref<1x2048xf32, #tpu.memory_space<hbm>>
    tpu.enqueue_dma source(%dma_start3A_33 : memref<1x2048xf32, #tpu.memory_space<hbm>>) target(%arg16 : memref<1x2048xf32, #tpu.memory_space<vmem>>) target_semaphore(%arg23 : memref<!tpu.dma_semaphore, #tpu.memory_space<semaphore_mem>>)
    %dma_start3A_34 = arith.constant 1 : i32
    %dma_start3A_35 = tpu.memref_slice %arg3[%dma_start3A_34, %mul3A_2] : memref<4x65536xf32, #tpu.memory_space<hbm>> -> memref<1x2048xf32, #tpu.memory_space<hbm>>
    %dma_start3A_36 = arith.constant 1 : i32
    %dma_start3A_37 = tpu.memref_slice %arg3[%dma_start3A_36, %mul3A_2] : memref<4x65536xf32, #tpu.memory_space<hbm>> -> memref<1x2048xf32, #tpu.memory_space<hbm>>
    tpu.enqueue_dma source(%dma_start3A_37 : memref<1x2048xf32, #tpu.memory_space<hbm>>) target(%arg17 : memref<1x2048xf32, #tpu.memory_space<vmem>>) target_semaphore(%arg23 : memref<!tpu.dma_semaphore, #tpu.memory_space<semaphore_mem>>)
    %dma_start3A_38 = arith.constant 2 : i32
    %dma_start3A_39 = tpu.memref_slice %arg3[%dma_start3A_38, %mul3A_2] : memref<4x65536xf32, #tpu.memory_space<hbm>> -> memref<1x2048xf32, #tpu.memory_space<hbm>>
    %dma_start3A_40 = arith.constant 2 : i32
    %dma_start3A_41 = tpu.memref_slice %arg3[%dma_start3A_40, %mul3A_2] : memref<4x65536xf32, #tpu.memory_space<hbm>> -> memref<1x2048xf32, #tpu.memory_space<hbm>>
    tpu.enqueue_dma source(%dma_start3A_41 : memref<1x2048xf32, #tpu.memory_space<hbm>>) target(%arg18 : memref<1x2048xf32, #tpu.memory_space<vmem>>) target_semaphore(%arg23 : memref<!tpu.dma_semaphore, #tpu.memory_space<semaphore_mem>>)
    %dma_start3A_42 = arith.constant 3 : i32
    %dma_start3A_43 = tpu.memref_slice %arg3[%dma_start3A_42, %mul3A_2] : memref<4x65536xf32, #tpu.memory_space<hbm>> -> memref<1x2048xf32, #tpu.memory_space<hbm>>
    %dma_start3A_44 = arith.constant 3 : i32
    %dma_start3A_45 = tpu.memref_slice %arg3[%dma_start3A_44, %mul3A_2] : memref<4x65536xf32, #tpu.memory_space<hbm>> -> memref<1x2048xf32, #tpu.memory_space<hbm>>
    tpu.enqueue_dma source(%dma_start3A_45 : memref<1x2048xf32, #tpu.memory_space<hbm>>) target(%arg19 : memref<1x2048xf32, #tpu.memory_space<vmem>>) target_semaphore(%arg23 : memref<!tpu.dma_semaphore, #tpu.memory_space<semaphore_mem>>)
    %dma_wait3A = arith.constant 0 : i32
    %dma_wait3A_46 = tpu.memref_slice %arg2[%dma_wait3A, %mul3A_2] : memref<2x65536xf32, #tpu.memory_space<hbm>> -> memref<1x2048xf32, #tpu.memory_space<hbm>>
    %dma_wait3A_47 = arith.constant 0 : i32
    %dma_wait3A_48 = tpu.memref_slice %arg2[%dma_wait3A_47, %mul3A_2] : memref<2x65536xf32, #tpu.memory_space<hbm>> -> memref<1x2048xf32, #tpu.memory_space<hbm>>
    tpu.wait_dma2 semaphore(%arg23 : memref<!tpu.dma_semaphore, #tpu.memory_space<semaphore_mem>>) src(%dma_wait3A_48 : memref<1x2048xf32, #tpu.memory_space<hbm>>) dst(%arg9 : memref<1x2048xf32, #tpu.memory_space<vmem>>)
    %dma_wait3A_49 = arith.constant 1 : i32
    %dma_wait3A_50 = tpu.memref_slice %arg2[%dma_wait3A_49, %mul3A_2] : memref<2x65536xf32, #tpu.memory_space<hbm>> -> memref<1x2048xf32, #tpu.memory_space<hbm>>
    %dma_wait3A_51 = arith.constant 1 : i32
    %dma_wait3A_52 = tpu.memref_slice %arg2[%dma_wait3A_51, %mul3A_2] : memref<2x65536xf32, #tpu.memory_space<hbm>> -> memref<1x2048xf32, #tpu.memory_space<hbm>>
    tpu.wait_dma2 semaphore(%arg23 : memref<!tpu.dma_semaphore, #tpu.memory_space<semaphore_mem>>) src(%dma_wait3A_52 : memref<1x2048xf32, #tpu.memory_space<hbm>>) dst(%arg10 : memref<1x2048xf32, #tpu.memory_space<vmem>>)
    %dma_wait3A_53 = arith.constant 0 : i32
    %dma_wait3A_54 = tpu.memref_slice %arg4[%dma_wait3A_53, %mul3A_2] : memref<5x65536xf32, #tpu.memory_space<hbm>> -> memref<1x2048xf32, #tpu.memory_space<hbm>>
    %dma_wait3A_55 = arith.constant 0 : i32
    %dma_wait3A_56 = tpu.memref_slice %arg4[%dma_wait3A_55, %mul3A_2] : memref<5x65536xf32, #tpu.memory_space<hbm>> -> memref<1x2048xf32, #tpu.memory_space<hbm>>
    tpu.wait_dma2 semaphore(%arg23 : memref<!tpu.dma_semaphore, #tpu.memory_space<semaphore_mem>>) src(%dma_wait3A_56 : memref<1x2048xf32, #tpu.memory_space<hbm>>) dst(%arg11 : memref<1x2048xf32, #tpu.memory_space<vmem>>)
    %dma_wait3A_57 = arith.constant 1 : i32
    %dma_wait3A_58 = tpu.memref_slice %arg4[%dma_wait3A_57, %mul3A_2] : memref<5x65536xf32, #tpu.memory_space<hbm>> -> memref<1x2048xf32, #tpu.memory_space<hbm>>
    %dma_wait3A_59 = arith.constant 1 : i32
    %dma_wait3A_60 = tpu.memref_slice %arg4[%dma_wait3A_59, %mul3A_2] : memref<5x65536xf32, #tpu.memory_space<hbm>> -> memref<1x2048xf32, #tpu.memory_space<hbm>>
    tpu.wait_dma2 semaphore(%arg23 : memref<!tpu.dma_semaphore, #tpu.memory_space<semaphore_mem>>) src(%dma_wait3A_60 : memref<1x2048xf32, #tpu.memory_space<hbm>>) dst(%arg12 : memref<1x2048xf32, #tpu.memory_space<vmem>>)
    %dma_wait3A_61 = arith.constant 2 : i32
    %dma_wait3A_62 = tpu.memref_slice %arg4[%dma_wait3A_61, %mul3A_2] : memref<5x65536xf32, #tpu.memory_space<hbm>> -> memref<1x2048xf32, #tpu.memory_space<hbm>>
    %dma_wait3A_63 = arith.constant 2 : i32
    %dma_wait3A_64 = tpu.memref_slice %arg4[%dma_wait3A_63, %mul3A_2] : memref<5x65536xf32, #tpu.memory_space<hbm>> -> memref<1x2048xf32, #tpu.memory_space<hbm>>
    tpu.wait_dma2 semaphore(%arg23 : memref<!tpu.dma_semaphore, #tpu.memory_space<semaphore_mem>>) src(%dma_wait3A_64 : memref<1x2048xf32, #tpu.memory_space<hbm>>) dst(%arg13 : memref<1x2048xf32, #tpu.memory_space<vmem>>)
    %dma_wait3A_65 = arith.constant 3 : i32
    %dma_wait3A_66 = tpu.memref_slice %arg4[%dma_wait3A_65, %mul3A_2] : memref<5x65536xf32, #tpu.memory_space<hbm>> -> memref<1x2048xf32, #tpu.memory_space<hbm>>
    %dma_wait3A_67 = arith.constant 3 : i32
    %dma_wait3A_68 = tpu.memref_slice %arg4[%dma_wait3A_67, %mul3A_2] : memref<5x65536xf32, #tpu.memory_space<hbm>> -> memref<1x2048xf32, #tpu.memory_space<hbm>>
    tpu.wait_dma2 semaphore(%arg23 : memref<!tpu.dma_semaphore, #tpu.memory_space<semaphore_mem>>) src(%dma_wait3A_68 : memref<1x2048xf32, #tpu.memory_space<hbm>>) dst(%arg14 : memref<1x2048xf32, #tpu.memory_space<vmem>>)
    %dma_wait3A_69 = arith.constant 4 : i32
    %dma_wait3A_70 = tpu.memref_slice %arg4[%dma_wait3A_69, %mul3A_2] : memref<5x65536xf32, #tpu.memory_space<hbm>> -> memref<1x2048xf32, #tpu.memory_space<hbm>>
    %dma_wait3A_71 = arith.constant 4 : i32
    %dma_wait3A_72 = tpu.memref_slice %arg4[%dma_wait3A_71, %mul3A_2] : memref<5x65536xf32, #tpu.memory_space<hbm>> -> memref<1x2048xf32, #tpu.memory_space<hbm>>
    tpu.wait_dma2 semaphore(%arg23 : memref<!tpu.dma_semaphore, #tpu.memory_space<semaphore_mem>>) src(%dma_wait3A_72 : memref<1x2048xf32, #tpu.memory_space<hbm>>) dst(%arg15 : memref<1x2048xf32, #tpu.memory_space<vmem>>)
    %dma_wait3A_73 = arith.constant 0 : i32
    %dma_wait3A_74 = tpu.memref_slice %arg3[%dma_wait3A_73, %mul3A_2] : memref<4x65536xf32, #tpu.memory_space<hbm>> -> memref<1x2048xf32, #tpu.memory_space<hbm>>
    %dma_wait3A_75 = arith.constant 0 : i32
    %dma_wait3A_76 = tpu.memref_slice %arg3[%dma_wait3A_75, %mul3A_2] : memref<4x65536xf32, #tpu.memory_space<hbm>> -> memref<1x2048xf32, #tpu.memory_space<hbm>>
    tpu.wait_dma2 semaphore(%arg23 : memref<!tpu.dma_semaphore, #tpu.memory_space<semaphore_mem>>) src(%dma_wait3A_76 : memref<1x2048xf32, #tpu.memory_space<hbm>>) dst(%arg16 : memref<1x2048xf32, #tpu.memory_space<vmem>>)
    %dma_wait3A_77 = arith.constant 1 : i32
    %dma_wait3A_78 = tpu.memref_slice %arg3[%dma_wait3A_77, %mul3A_2] : memref<4x65536xf32, #tpu.memory_space<hbm>> -> memref<1x2048xf32, #tpu.memory_space<hbm>>
    %dma_wait3A_79 = arith.constant 1 : i32
    %dma_wait3A_80 = tpu.memref_slice %arg3[%dma_wait3A_79, %mul3A_2] : memref<4x65536xf32, #tpu.memory_space<hbm>> -> memref<1x2048xf32, #tpu.memory_space<hbm>>
    tpu.wait_dma2 semaphore(%arg23 : memref<!tpu.dma_semaphore, #tpu.memory_space<semaphore_mem>>) src(%dma_wait3A_80 : memref<1x2048xf32, #tpu.memory_space<hbm>>) dst(%arg17 : memref<1x2048xf32, #tpu.memory_space<vmem>>)
    %dma_wait3A_81 = arith.constant 2 : i32
    %dma_wait3A_82 = tpu.memref_slice %arg3[%dma_wait3A_81, %mul3A_2] : memref<4x65536xf32, #tpu.memory_space<hbm>> -> memref<1x2048xf32, #tpu.memory_space<hbm>>
    %dma_wait3A_83 = arith.constant 2 : i32
    %dma_wait3A_84 = tpu.memref_slice %arg3[%dma_wait3A_83, %mul3A_2] : memref<4x65536xf32, #tpu.memory_space<hbm>> -> memref<1x2048xf32, #tpu.memory_space<hbm>>
    tpu.wait_dma2 semaphore(%arg23 : memref<!tpu.dma_semaphore, #tpu.memory_space<semaphore_mem>>) src(%dma_wait3A_84 : memref<1x2048xf32, #tpu.memory_space<hbm>>) dst(%arg18 : memref<1x2048xf32, #tpu.memory_space<vmem>>)
    %dma_wait3A_85 = arith.constant 3 : i32
    %dma_wait3A_86 = tpu.memref_slice %arg3[%dma_wait3A_85, %mul3A_2] : memref<4x65536xf32, #tpu.memory_space<hbm>> -> memref<1x2048xf32, #tpu.memory_space<hbm>>
    %dma_wait3A_87 = arith.constant 3 : i32
    %dma_wait3A_88 = tpu.memref_slice %arg3[%dma_wait3A_87, %mul3A_2] : memref<4x65536xf32, #tpu.memory_space<hbm>> -> memref<1x2048xf32, #tpu.memory_space<hbm>>
    tpu.wait_dma2 semaphore(%arg23 : memref<!tpu.dma_semaphore, #tpu.memory_space<semaphore_mem>>) src(%dma_wait3A_88 : memref<1x2048xf32, #tpu.memory_space<hbm>>) dst(%arg19 : memref<1x2048xf32, #tpu.memory_space<vmem>>)
    %iota3A = tpu.iota {dimensions = array<i32: 0>} : vector<16xi32>
    %broadcast_in_dim3A = arith.constant 0.000000e+00 : f32
    %broadcast_in_dim3A_89 = vector.broadcast %broadcast_in_dim3A : f32 to vector<16xf32>
    %scan3A = arith.constant 0 : i32
    %scan3A_90 = arith.constant 128 : i32
    %scan3A_91 = arith.addi %scan3A, %scan3A_90 : i32
    %scan3A_92 = arith.constant 1 : i32
    %scan3A_93:2 = scf.for %scan3A_158 = %scan3A to %scan3A_91 step %scan3A_92 iter_args(%scan3A_159 = %broadcast_in_dim3A_89, %scan3A_160 = %broadcast_in_dim3A_89) -> (vector<16xf32>, vector<16xf32>)  : i32 {
      %mul3A_161 = arith.constant 16 : i32
      %mul3A_162 = arith.muli %scan3A_158, %mul3A_161 : i32
      %get3A = arith.constant 0 : i32
      %get3A_163 = arith.index_cast %get3A : i32 to index
      %get3A_164 = arith.index_cast %mul3A_162 : i32 to index
      %get3A_165 = tpu.vector_load %arg9[%get3A_163, %get3A_164] {strides = array<i32>} : memref<1x2048xf32, #tpu.memory_space<vmem>>, vector<16xf32>,
      %get3A_166 = arith.constant 0 : i32
      %get3A_167 = arith.index_cast %get3A_166 : i32 to index
      %get3A_168 = arith.index_cast %mul3A_162 : i32 to index
      %get3A_169 = tpu.vector_load %arg10[%get3A_167, %get3A_168] {strides = array<i32>} : memref<1x2048xf32, #tpu.memory_space<vmem>>, vector<16xf32>,
      %get3A_170 = arith.constant 0 : i32
      %get3A_171 = arith.index_cast %get3A_170 : i32 to index
      %get3A_172 = arith.index_cast %mul3A_162 : i32 to index
      %get3A_173 = tpu.vector_load %arg11[%get3A_171, %get3A_172] {strides = array<i32>} : memref<1x2048xf32, #tpu.memory_space<vmem>>, vector<16xf32>,
      %eq3A_174 = arith.constant 1.000000e+00 : f32
      %eq3A_175 = vector.broadcast %eq3A_174 : f32 to vector<16xf32>
      %eq3A_176 = arith.cmpf oeq, %get3A_173, %eq3A_175 : vector<16xf32>
      %max3A = arith.maximumf %get3A_165, %get3A_169 : vector<16xf32>
      %sub3A = arith.subf %get3A_165, %get3A_169 : vector<16xf32>
      %abs3A = math.absf %sub3A : vector<16xf32>
      %neg3A = arith.constant 0.000000e+00 : f32
      %neg3A_177 = vector.broadcast %neg3A : f32 to vector<16xf32>
      %neg3A_178 = arith.subf %neg3A_177, %abs3A : vector<16xf32>
      %exp3A = math.exp %neg3A_178 : vector<16xf32>
      %add3A_179 = arith.constant 2.000000e+00 : f32
      %add3A_180 = vector.broadcast %add3A_179 : f32 to vector<16xf32>
      %add3A_181 = arith.addf %exp3A, %add3A_180 : vector<16xf32>
      %div3A = arith.divf %exp3A, %add3A_181 : vector<16xf32>
      %mul3A_182 = arith.mulf %div3A, %div3A : vector<16xf32>
      %mul3A_183 = arith.constant 2.000000e+00 : f32
      %mul3A_184 = vector.broadcast %mul3A_183 : f32 to vector<16xf32>
      %mul3A_185 = arith.mulf %mul3A_184, %div3A : vector<16xf32>
      %mul3A_186 = arith.constant 0.111111112 : f32
      %mul3A_187 = vector.broadcast %mul3A_186 : f32 to vector<16xf32>
      %mul3A_188 = arith.mulf %mul3A_182, %mul3A_187 : vector<16xf32>
      %add3A_189 = arith.constant 0.142857134 : f32
      %add3A_190 = vector.broadcast %add3A_189 : f32 to vector<16xf32>
      %add3A_191 = arith.addf %add3A_190, %mul3A_188 : vector<16xf32>
      %mul3A_192 = arith.mulf %mul3A_182, %add3A_191 : vector<16xf32>
      %add3A_193 = arith.constant 2.000000e-01 : f32
      %add3A_194 = vector.broadcast %add3A_193 : f32 to vector<16xf32>
      %add3A_195 = arith.addf %add3A_194, %mul3A_192 : vector<16xf32>
      %mul3A_196 = arith.mulf %mul3A_182, %add3A_195 : vector<16xf32>
      %add3A_197 = arith.constant 0.333333343 : f32
      %add3A_198 = vector.broadcast %add3A_197 : f32 to vector<16xf32>
      %add3A_199 = arith.addf %add3A_198, %mul3A_196 : vector<16xf32>
      %mul3A_200 = arith.mulf %mul3A_182, %add3A_199 : vector<16xf32>
      %add3A_201 = arith.constant 1.000000e+00 : f32
      %add3A_202 = vector.broadcast %add3A_201 : f32 to vector<16xf32>
      %add3A_203 = arith.addf %add3A_202, %mul3A_200 : vector<16xf32>
      %mul3A_204 = arith.mulf %mul3A_185, %add3A_203 : vector<16xf32>
      %select_n3A_205 = arith.select %eq3A_176, %get3A_169, %get3A_165 : vector<16xi1>, vector<16xf32>
      %sub3A_206 = arith.subf %max3A, %select_n3A_205 : vector<16xf32>
      %add3A_207 = arith.addf %scan3A_159, %sub3A_206 : vector<16xf32>
      %add3A_208 = arith.addf %add3A_207, %mul3A_204 : vector<16xf32>
      %jit3A_209 = arith.constant 1 : i32
      %jit3A_210 = arith.constant 0 : i32
      %broadcast_in_dim3A_211 = vector.broadcast %jit3A_209 : i32 to vector<16xi32>
      %broadcast_in_dim3A_212 = vector.broadcast %jit3A_210 : i32 to vector<16xi32>
      %select_n3A_213 = arith.select %eq3A_176, %broadcast_in_dim3A_211, %broadcast_in_dim3A_212 : vector<16xi1>, vector<16xi32>
      %swap3A_214 = arith.index_cast %mul3A_162 : i32 to index
      %swap3A_215 = tpu.vector_load %arg20[%swap3A_214] {strides = array<i32>} : memref<2048xi32, #tpu.memory_space<vmem>>, vector<16xi32>,
      tpu.vector_store %arg20[%swap3A_214], %select_n3A_213 {strides = array<i32>} : memref<2048xi32, #tpu.memory_space<vmem>>, vector<16xi32>,
      %sub3A_216 = arith.constant 1 : i32
      %sub3A_217 = vector.broadcast %sub3A_216 : i32 to vector<16xi32>
      %sub3A_218 = arith.subi %sub3A_217, %select_n3A_213 : vector<16xi32>
      %swap3A_219 = arith.index_cast %mul3A_162 : i32 to index
      %swap3A_220 = tpu.vector_load %arg21[%swap3A_219] {strides = array<i32>} : memref<2048xi32, #tpu.memory_space<vmem>>, vector<16xi32>,
      tpu.vector_store %arg21[%swap3A_219], %sub3A_218 {strides = array<i32>} : memref<2048xi32, #tpu.memory_space<vmem>>, vector<16xi32>,
      %get3A_221 = arith.constant 0 : i32
      %get3A_222 = arith.index_cast %get3A_221 : i32 to index
      %get3A_223 = arith.index_cast %mul3A_162 : i32 to index
      %get3A_224 = tpu.vector_load %arg16[%get3A_222, %get3A_223] {strides = array<i32>} : memref<1x2048xf32, #tpu.memory_space<vmem>>, vector<16xf32>,
      %get3A_225 = arith.constant 0 : i32
      %get3A_226 = arith.index_cast %get3A_225 : i32 to index
      %get3A_227 = arith.index_cast %mul3A_162 : i32 to index
      %get3A_228 = tpu.vector_load %arg12[%get3A_226, %get3A_227] {strides = array<i32>} : memref<1x2048xf32, #tpu.memory_space<vmem>>, vector<16xf32>,
      %sub3A_229 = arith.subf %get3A_224, %get3A_228 : vector<16xf32>
      %abs3A_230 = math.absf %sub3A_229 : vector<16xf32>
      %lt3A = arith.constant 1.000000e+00 : f32
      %lt3A_231 = vector.broadcast %lt3A : f32 to vector<16xf32>
      %lt3A_232 = arith.cmpf olt, %abs3A_230, %lt3A_231 : vector<16xf32>
      %mul3A_233 = arith.constant 5.000000e-01 : f32
      %mul3A_234 = vector.broadcast %mul3A_233 : f32 to vector<16xf32>
      %mul3A_235 = arith.mulf %mul3A_234, %sub3A_229 : vector<16xf32>
      %mul3A_236 = arith.mulf %mul3A_235, %sub3A_229 : vector<16xf32>
      %sub3A_237 = arith.constant 5.000000e-01 : f32
      %sub3A_238 = vector.broadcast %sub3A_237 : f32 to vector<16xf32>
      %sub3A_239 = arith.subf %abs3A_230, %sub3A_238 : vector<16xf32>
      %select_n3A_240 = arith.select %lt3A_232, %mul3A_236, %sub3A_239 : vector<16xi1>, vector<16xf32>
      %add3A_241 = arith.addf %broadcast_in_dim3A_89, %select_n3A_240 : vector<16xf32>
      %get3A_242 = arith.constant 0 : i32
      %get3A_243 = arith.index_cast %get3A_242 : i32 to index
      %get3A_244 = arith.index_cast %mul3A_162 : i32 to index
      %get3A_245 = tpu.vector_load %arg17[%get3A_243, %get3A_244] {strides = array<i32>} : memref<1x2048xf32, #tpu.memory_space<vmem>>, vector<16xf32>,
      %get3A_246 = arith.constant 0 : i32
      %get3A_247 = arith.index_cast %get3A_246 : i32 to index
      %get3A_248 = arith.index_cast %mul3A_162 : i32 to index
      %get3A_249 = tpu.vector_load %arg13[%get3A_247, %get3A_248] {strides = array<i32>} : memref<1x2048xf32, #tpu.memory_space<vmem>>, vector<16xf32>,
      %sub3A_250 = arith.subf %get3A_245, %get3A_249 : vector<16xf32>
      %abs3A_251 = math.absf %sub3A_250 : vector<16xf32>
      %lt3A_252 = arith.constant 1.000000e+00 : f32
      %lt3A_253 = vector.broadcast %lt3A_252 : f32 to vector<16xf32>
      %lt3A_254 = arith.cmpf olt, %abs3A_251, %lt3A_253 : vector<16xf32>
      %mul3A_255 = arith.constant 5.000000e-01 : f32
      %mul3A_256 = vector.broadcast %mul3A_255 : f32 to vector<16xf32>
      %mul3A_257 = arith.mulf %mul3A_256, %sub3A_250 : vector<16xf32>
      %mul3A_258 = arith.mulf %mul3A_257, %sub3A_250 : vector<16xf32>
      %sub3A_259 = arith.constant 5.000000e-01 : f32
      %sub3A_260 = vector.broadcast %sub3A_259 : f32 to vector<16xf32>
      %sub3A_261 = arith.subf %abs3A_251, %sub3A_260 : vector<16xf32>
      %select_n3A_262 = arith.select %lt3A_254, %mul3A_258, %sub3A_261 : vector<16xi1>, vector<16xf32>
      %add3A_263 = arith.addf %add3A_241, %select_n3A_262 : vector<16xf32>
      %get3A_264 = arith.constant 0 : i32
      %get3A_265 = arith.index_cast %get3A_264 : i32 to index
      %get3A_266 = arith.index_cast %mul3A_162 : i32 to index
      %get3A_267 = tpu.vector_load %arg18[%get3A_265, %get3A_266] {strides = array<i32>} : memref<1x2048xf32, #tpu.memory_space<vmem>>, vector<16xf32>,
      %get3A_268 = arith.constant 0 : i32
      %get3A_269 = arith.index_cast %get3A_268 : i32 to index
      %get3A_270 = arith.index_cast %mul3A_162 : i32 to index
      %get3A_271 = tpu.vector_load %arg14[%get3A_269, %get3A_270] {strides = array<i32>} : memref<1x2048xf32, #tpu.memory_space<vmem>>, vector<16xf32>,
      %sub3A_272 = arith.subf %get3A_267, %get3A_271 : vector<16xf32>
      %abs3A_273 = math.absf %sub3A_272 : vector<16xf32>
      %lt3A_274 = arith.constant 1.000000e+00 : f32
      %lt3A_275 = vector.broadcast %lt3A_274 : f32 to vector<16xf32>
      %lt3A_276 = arith.cmpf olt, %abs3A_273, %lt3A_275 : vector<16xf32>
      %mul3A_277 = arith.constant 5.000000e-01 : f32
      %mul3A_278 = vector.broadcast %mul3A_277 : f32 to vector<16xf32>
      %mul3A_279 = arith.mulf %mul3A_278, %sub3A_272 : vector<16xf32>
      %mul3A_280 = arith.mulf %mul3A_279, %sub3A_272 : vector<16xf32>
      %sub3A_281 = arith.constant 5.000000e-01 : f32
      %sub3A_282 = vector.broadcast %sub3A_281 : f32 to vector<16xf32>
      %sub3A_283 = arith.subf %abs3A_273, %sub3A_282 : vector<16xf32>
      %select_n3A_284 = arith.select %lt3A_276, %mul3A_280, %sub3A_283 : vector<16xi1>, vector<16xf32>
      %add3A_285 = arith.addf %add3A_263, %select_n3A_284 : vector<16xf32>
      %get3A_286 = arith.constant 0 : i32
      %get3A_287 = arith.index_cast %get3A_286 : i32 to index
      %get3A_288 = arith.index_cast %mul3A_162 : i32 to index
      %get3A_289 = tpu.vector_load %arg19[%get3A_287, %get3A_288] {strides = array<i32>} : memref<1x2048xf32, #tpu.memory_space<vmem>>, vector<16xf32>,
      %get3A_290 = arith.constant 0 : i32
      %get3A_291 = arith.index_cast %get3A_290 : i32 to index
      %get3A_292 = arith.index_cast %mul3A_162 : i32 to index
      %get3A_293 = tpu.vector_load %arg15[%get3A_291, %get3A_292] {strides = array<i32>} : memref<1x2048xf32, #tpu.memory_space<vmem>>, vector<16xf32>,
      %sub3A_294 = arith.subf %get3A_289, %get3A_293 : vector<16xf32>
      %abs3A_295 = math.absf %sub3A_294 : vector<16xf32>
      %lt3A_296 = arith.constant 1.000000e+00 : f32
      %lt3A_297 = vector.broadcast %lt3A_296 : f32 to vector<16xf32>
      %lt3A_298 = arith.cmpf olt, %abs3A_295, %lt3A_297 : vector<16xf32>
      %mul3A_299 = arith.constant 5.000000e-01 : f32
      %mul3A_300 = vector.broadcast %mul3A_299 : f32 to vector<16xf32>
      %mul3A_301 = arith.mulf %mul3A_300, %sub3A_294 : vector<16xf32>
      %mul3A_302 = arith.mulf %mul3A_301, %sub3A_294 : vector<16xf32>
      %sub3A_303 = arith.constant 5.000000e-01 : f32
      %sub3A_304 = vector.broadcast %sub3A_303 : f32 to vector<16xf32>
      %sub3A_305 = arith.subf %abs3A_295, %sub3A_304 : vector<16xf32>
      %select_n3A_306 = arith.select %lt3A_298, %mul3A_302, %sub3A_305 : vector<16xi1>, vector<16xf32>
      %add3A_307 = arith.addf %add3A_285, %select_n3A_306 : vector<16xf32>
      %jit3A_308 = arith.constant 0.000000e+00 : f32
      %broadcast_in_dim3A_309 = vector.broadcast %jit3A_308 : f32 to vector<16xf32>
      %select_n3A_310 = arith.select %eq3A_176, %add3A_307, %broadcast_in_dim3A_309 : vector<16xi1>, vector<16xf32>
      %add3A_311 = arith.addf %scan3A_160, %select_n3A_310 : vector<16xf32>
      scf.yield %add3A_208, %add3A_311 : vector<16xf32>, vector<16xf32>
    }
    %scan3A_94 = arith.constant 128 : i32
    %reduce_sum3A = arith.constant true
    %reduce_sum3A_95 = vector.broadcast %reduce_sum3A : i1 to vector<16xi1>
    %reduce_sum3A_96 = tpu.scan <sum>, %scan3A_93#0 masked %reduce_sum3A_95 : vector<16xf32>, vector<16xi1> -> vector<16xf32>
    %reduce_sum3A_97 = vector.extract %reduce_sum3A_96[15] : f32 from vector<16xf32>
    %reduce_sum3A_98 = arith.constant true
    %reduce_sum3A_99 = vector.broadcast %reduce_sum3A_98 : i1 to vector<16xi1>
    %reduce_sum3A_100 = tpu.scan <sum>, %scan3A_93#1 masked %reduce_sum3A_99 : vector<16xf32>, vector<16xi1> -> vector<16xf32>
    %reduce_sum3A_101 = vector.extract %reduce_sum3A_100[15] : f32 from vector<16xf32>
    %eq3A = arith.constant 0 : i32
    %eq3A_102 = vector.broadcast %eq3A : i32 to vector<16xi32>
    %eq3A_103 = arith.cmpi eq, %iota3A, %eq3A_102 : vector<16xi32>
    %eq3A_104 = arith.constant 1 : i32
    %eq3A_105 = vector.broadcast %eq3A_104 : i32 to vector<16xi32>
    %eq3A_106 = arith.cmpi eq, %iota3A, %eq3A_105 : vector<16xi32>
    %jit3A = arith.constant 0.000000e+00 : f32
    %broadcast_in_dim3A_107 = vector.broadcast %reduce_sum3A_101 : f32 to vector<16xf32>
    %broadcast_in_dim3A_108 = vector.broadcast %jit3A : f32 to vector<16xf32>
    %select_n3A = arith.select %eq3A_106, %broadcast_in_dim3A_107, %broadcast_in_dim3A_108 : vector<16xi1>, vector<16xf32>
    %broadcast_in_dim3A_109 = vector.broadcast %reduce_sum3A_97 : f32 to vector<16xf32>
    %select_n3A_110 = arith.select %eq3A_103, %broadcast_in_dim3A_109, %select_n3A : vector<16xi1>, vector<16xf32>
    %swap3A = arith.constant 0 : index
    %swap3A_111 = tpu.vector_load %arg22[%swap3A] {strides = array<i32>} : memref<16xf32, #tpu.memory_space<vmem>>, vector<16xf32>,
    tpu.vector_store %arg22[%swap3A], %select_n3A_110 {strides = array<i32>} : memref<16xf32, #tpu.memory_space<vmem>>, vector<16xf32>,
    %dma_start3A_112 = arith.constant 0 : i32
    %dma_start3A_113 = tpu.memref_slice %arg6[%dma_start3A_112, %mul3A_2] : memref<4x65536xf32, #tpu.memory_space<hbm>> -> memref<1x2048xf32, #tpu.memory_space<hbm>>
    %dma_start3A_114 = arith.constant 0 : i32
    %dma_start3A_115 = tpu.memref_slice %arg6[%dma_start3A_114, %mul3A_2] : memref<4x65536xf32, #tpu.memory_space<hbm>> -> memref<1x2048xf32, #tpu.memory_space<hbm>>
    tpu.enqueue_dma source(%arg12 : memref<1x2048xf32, #tpu.memory_space<vmem>>) target(%dma_start3A_115 : memref<1x2048xf32, #tpu.memory_space<hbm>>) target_semaphore(%arg23 : memref<!tpu.dma_semaphore, #tpu.memory_space<semaphore_mem>>)
    %dma_start3A_116 = arith.constant 1 : i32
    %dma_start3A_117 = tpu.memref_slice %arg6[%dma_start3A_116, %mul3A_2] : memref<4x65536xf32, #tpu.memory_space<hbm>> -> memref<1x2048xf32, #tpu.memory_space<hbm>>
    %dma_start3A_118 = arith.constant 1 : i32
    %dma_start3A_119 = tpu.memref_slice %arg6[%dma_start3A_118, %mul3A_2] : memref<4x65536xf32, #tpu.memory_space<hbm>> -> memref<1x2048xf32, #tpu.memory_space<hbm>>
    tpu.enqueue_dma source(%arg13 : memref<1x2048xf32, #tpu.memory_space<vmem>>) target(%dma_start3A_119 : memref<1x2048xf32, #tpu.memory_space<hbm>>) target_semaphore(%arg23 : memref<!tpu.dma_semaphore, #tpu.memory_space<semaphore_mem>>)
    %dma_start3A_120 = arith.constant 2 : i32
    %dma_start3A_121 = tpu.memref_slice %arg6[%dma_start3A_120, %mul3A_2] : memref<4x65536xf32, #tpu.memory_space<hbm>> -> memref<1x2048xf32, #tpu.memory_space<hbm>>
    %dma_start3A_122 = arith.constant 2 : i32
    %dma_start3A_123 = tpu.memref_slice %arg6[%dma_start3A_122, %mul3A_2] : memref<4x65536xf32, #tpu.memory_space<hbm>> -> memref<1x2048xf32, #tpu.memory_space<hbm>>
    tpu.enqueue_dma source(%arg14 : memref<1x2048xf32, #tpu.memory_space<vmem>>) target(%dma_start3A_123 : memref<1x2048xf32, #tpu.memory_space<hbm>>) target_semaphore(%arg23 : memref<!tpu.dma_semaphore, #tpu.memory_space<semaphore_mem>>)
    %dma_start3A_124 = arith.constant 3 : i32
    %dma_start3A_125 = tpu.memref_slice %arg6[%dma_start3A_124, %mul3A_2] : memref<4x65536xf32, #tpu.memory_space<hbm>> -> memref<1x2048xf32, #tpu.memory_space<hbm>>
    %dma_start3A_126 = arith.constant 3 : i32
    %dma_start3A_127 = tpu.memref_slice %arg6[%dma_start3A_126, %mul3A_2] : memref<4x65536xf32, #tpu.memory_space<hbm>> -> memref<1x2048xf32, #tpu.memory_space<hbm>>
    tpu.enqueue_dma source(%arg15 : memref<1x2048xf32, #tpu.memory_space<vmem>>) target(%dma_start3A_127 : memref<1x2048xf32, #tpu.memory_space<hbm>>) target_semaphore(%arg23 : memref<!tpu.dma_semaphore, #tpu.memory_space<semaphore_mem>>)
    %dma_start3A_128 = tpu.memref_slice %arg7[%mul3A_2] : memref<65536xi32, #tpu.memory_space<hbm>> -> memref<2048xi32, #tpu.memory_space<hbm>>
    %dma_start3A_129 = tpu.memref_slice %arg7[%mul3A_2] : memref<65536xi32, #tpu.memory_space<hbm>> -> memref<2048xi32, #tpu.memory_space<hbm>>
    tpu.enqueue_dma source(%arg20 : memref<2048xi32, #tpu.memory_space<vmem>>) target(%dma_start3A_129 : memref<2048xi32, #tpu.memory_space<hbm>>) target_semaphore(%arg23 : memref<!tpu.dma_semaphore, #tpu.memory_space<semaphore_mem>>)
    %dma_start3A_130 = tpu.memref_slice %arg8[%mul3A_2] : memref<65536xi32, #tpu.memory_space<hbm>> -> memref<2048xi32, #tpu.memory_space<hbm>>
    %dma_start3A_131 = tpu.memref_slice %arg8[%mul3A_2] : memref<65536xi32, #tpu.memory_space<hbm>> -> memref<2048xi32, #tpu.memory_space<hbm>>
    tpu.enqueue_dma source(%arg21 : memref<2048xi32, #tpu.memory_space<vmem>>) target(%dma_start3A_131 : memref<2048xi32, #tpu.memory_space<hbm>>) target_semaphore(%arg23 : memref<!tpu.dma_semaphore, #tpu.memory_space<semaphore_mem>>)
    %mul3A_132 = arith.constant 16 : i32
    %mul3A_133 = arith.muli %add3A, %mul3A_132 : i32
    %dma_start3A_134 = tpu.memref_slice %arg5[%mul3A_133] : memref<512xf32, #tpu.memory_space<hbm>> -> memref<16xf32, #tpu.memory_space<hbm>>
    %dma_start3A_135 = tpu.memref_slice %arg5[%mul3A_133] : memref<512xf32, #tpu.memory_space<hbm>> -> memref<16xf32, #tpu.memory_space<hbm>>
    tpu.enqueue_dma source(%arg22 : memref<16xf32, #tpu.memory_space<vmem>>) target(%dma_start3A_135 : memref<16xf32, #tpu.memory_space<hbm>>) target_semaphore(%arg23 : memref<!tpu.dma_semaphore, #tpu.memory_space<semaphore_mem>>)
    %dma_wait3A_136 = arith.constant 0 : i32
    %dma_wait3A_137 = tpu.memref_slice %arg6[%dma_wait3A_136, %mul3A_2] : memref<4x65536xf32, #tpu.memory_space<hbm>> -> memref<1x2048xf32, #tpu.memory_space<hbm>>
    %dma_wait3A_138 = arith.constant 0 : i32
    %dma_wait3A_139 = tpu.memref_slice %arg6[%dma_wait3A_138, %mul3A_2] : memref<4x65536xf32, #tpu.memory_space<hbm>> -> memref<1x2048xf32, #tpu.memory_space<hbm>>
    tpu.wait_dma2 semaphore(%arg23 : memref<!tpu.dma_semaphore, #tpu.memory_space<semaphore_mem>>) src(%arg12 : memref<1x2048xf32, #tpu.memory_space<vmem>>) dst(%dma_wait3A_139 : memref<1x2048xf32, #tpu.memory_space<hbm>>)
    %dma_wait3A_140 = arith.constant 1 : i32
    %dma_wait3A_141 = tpu.memref_slice %arg6[%dma_wait3A_140, %mul3A_2] : memref<4x65536xf32, #tpu.memory_space<hbm>> -> memref<1x2048xf32, #tpu.memory_space<hbm>>
    %dma_wait3A_142 = arith.constant 1 : i32
    %dma_wait3A_143 = tpu.memref_slice %arg6[%dma_wait3A_142, %mul3A_2] : memref<4x65536xf32, #tpu.memory_space<hbm>> -> memref<1x2048xf32, #tpu.memory_space<hbm>>
    tpu.wait_dma2 semaphore(%arg23 : memref<!tpu.dma_semaphore, #tpu.memory_space<semaphore_mem>>) src(%arg13 : memref<1x2048xf32, #tpu.memory_space<vmem>>) dst(%dma_wait3A_143 : memref<1x2048xf32, #tpu.memory_space<hbm>>)
    %dma_wait3A_144 = arith.constant 2 : i32
    %dma_wait3A_145 = tpu.memref_slice %arg6[%dma_wait3A_144, %mul3A_2] : memref<4x65536xf32, #tpu.memory_space<hbm>> -> memref<1x2048xf32, #tpu.memory_space<hbm>>
    %dma_wait3A_146 = arith.constant 2 : i32
    %dma_wait3A_147 = tpu.memref_slice %arg6[%dma_wait3A_146, %mul3A_2] : memref<4x65536xf32, #tpu.memory_space<hbm>> -> memref<1x2048xf32, #tpu.memory_space<hbm>>
    tpu.wait_dma2 semaphore(%arg23 : memref<!tpu.dma_semaphore, #tpu.memory_space<semaphore_mem>>) src(%arg14 : memref<1x2048xf32, #tpu.memory_space<vmem>>) dst(%dma_wait3A_147 : memref<1x2048xf32, #tpu.memory_space<hbm>>)
    %dma_wait3A_148 = arith.constant 3 : i32
    %dma_wait3A_149 = tpu.memref_slice %arg6[%dma_wait3A_148, %mul3A_2] : memref<4x65536xf32, #tpu.memory_space<hbm>> -> memref<1x2048xf32, #tpu.memory_space<hbm>>
    %dma_wait3A_150 = arith.constant 3 : i32
    %dma_wait3A_151 = tpu.memref_slice %arg6[%dma_wait3A_150, %mul3A_2] : memref<4x65536xf32, #tpu.memory_space<hbm>> -> memref<1x2048xf32, #tpu.memory_space<hbm>>
    tpu.wait_dma2 semaphore(%arg23 : memref<!tpu.dma_semaphore, #tpu.memory_space<semaphore_mem>>) src(%arg15 : memref<1x2048xf32, #tpu.memory_space<vmem>>) dst(%dma_wait3A_151 : memref<1x2048xf32, #tpu.memory_space<hbm>>)
    %dma_wait3A_152 = tpu.memref_slice %arg7[%mul3A_2] : memref<65536xi32, #tpu.memory_space<hbm>> -> memref<2048xi32, #tpu.memory_space<hbm>>
    %dma_wait3A_153 = tpu.memref_slice %arg7[%mul3A_2] : memref<65536xi32, #tpu.memory_space<hbm>> -> memref<2048xi32, #tpu.memory_space<hbm>>
    tpu.wait_dma2 semaphore(%arg23 : memref<!tpu.dma_semaphore, #tpu.memory_space<semaphore_mem>>) src(%arg20 : memref<2048xi32, #tpu.memory_space<vmem>>) dst(%dma_wait3A_153 : memref<2048xi32, #tpu.memory_space<hbm>>)
    %dma_wait3A_154 = tpu.memref_slice %arg8[%mul3A_2] : memref<65536xi32, #tpu.memory_space<hbm>> -> memref<2048xi32, #tpu.memory_space<hbm>>
    %dma_wait3A_155 = tpu.memref_slice %arg8[%mul3A_2] : memref<65536xi32, #tpu.memory_space<hbm>> -> memref<2048xi32, #tpu.memory_space<hbm>>
    tpu.wait_dma2 semaphore(%arg23 : memref<!tpu.dma_semaphore, #tpu.memory_space<semaphore_mem>>) src(%arg21 : memref<2048xi32, #tpu.memory_space<vmem>>) dst(%dma_wait3A_155 : memref<2048xi32, #tpu.memory_space<hbm>>)
    %dma_wait3A_156 = tpu.memref_slice %arg5[%mul3A_133] : memref<512xf32, #tpu.memory_space<hbm>> -> memref<16xf32, #tpu.memory_space<hbm>>
    %dma_wait3A_157 = tpu.memref_slice %arg5[%mul3A_133] : memref<512xf32, #tpu.memory_space<hbm>> -> memref<16xf32, #tpu.memory_space<hbm>>
    tpu.wait_dma2 semaphore(%arg23 : memref<!tpu.dma_semaphore, #tpu.memory_space<semaphore_mem>>) src(%arg22 : memref<16xf32, #tpu.memory_space<vmem>>) dst(%dma_wait3A_157 : memref<16xf32, #tpu.memory_space<hbm>>)
    return
  }
}

</mosaic_0001>

<sc_bundles>
// kernel: _sc_pass.3.cloned.1.call-start
scs
__scs_entry_jumppad:
0x0: {  	(pc) =	sbr.rel $0x88, $3  }
0x1: {  	(tag) =	ssettag $0x0;
	lr =	simm.s32 $0x1  }
0x2: {  	[smem:$0x3F9E] =	sst lr;
	_ =	strace $0xD0000000  }
0x3: {  	_ = 	snop  }
0x4: {  	_ = 	snop  }
0x5: {  	_ = 	snop  }
0x6: {  	_ = 	snop  }
0x7: {  	_ = 	snop  }
__scs_overlays_trampoline_lowered:
0x8: {  	[smem:$0x3FAD] =	sst s0  }
0x9: {  	[smem:$0x3FAE] =	sst s1  }
0xa: {  	[smem:$0x3FAF] =	sst s2  }
0xb: {  	[smem:$0x3FB0] =	sst s3  }
0xc: {  	[smem:$0x3FB1] =	sst s4  }
0xd: {  	[smem:$0x3FB2] =	sst s5  }
0xe: {  	[smem:$0x3FB3] =	sst s6  }
0xf: {  	[smem:$0x3FB4] =	sst s7  }
0x10: {  	[smem:$0x3FB5] =	sst s8  }
0x11: {  	[smem:$0x3FB6] =	sst s9;
	s0 =	simm.s32 @!p0 $0x0  }
0x12: {  	s1 =	sld [smem:$0x3F9C];
	s0 =	simm.s32 @p0 $0x1  }
0x13: {  	[smem:$0x3FB7] =	sst s0;
	s0 =	simm.s32 @!p1 $0x0  }
0x14: {  	s2 =	sld [smem:$0x3F9B];
	s0 =	simm.s32 @p1 $0x1  }
0x15: {  	[smem:$0x3FB8] =	sst s0;
	s0 =	simm.s32 @!p2 $0x0  }
0x16: {  	s3 =	sld [smem:$0x3FDB];
	s0 =	simm.s32 @p2 $0x1  }
0x17: {  	s4 =	simm.s32 $0x1BF5;
	[smem:$0x3FBA] =	sst s0  }
0x18: {  	s0 =	sld [smem:$0x3F9D];
	_ =	swait.ge [sflag:s4], $0x0  }
0x19: {  	s7 =	sld [smem:$0x3F9E]  }
0x1a: {  	s8 =	sadd.s32 $0xFFFFE003, lr  }
0x1b: {  	s9 =	sadd.s32 $0xFFFFFEF7, lr;
	s5 =	simm.s32 $0xFFFFFFFF;
	p2 =	slt.u32 s8, $0xFFFFF086  }
0x1c: {  	p1 =	slt.u32 s9, $0xF7A;
	s5 =	simm.s32 @!p2 $0x0  }
0x1d: {  	s5 =	simm.s32 @p1 $0x1;
	p0 =	seq.s32 s7, s2  }
0x1e: {  	s7 =	smul.u32 @!p0 $0xF7A, s2;
	p2 =	seq.s32 @!p0 s5, $0x0  }
0x1f: {  	s9 =	smul.u32 $0xF7A, s1;
	s8 =	simm.s32 @!p0 $0x1BF5;
	p2 =	por !p2, p0  }
0x20: {  	[sflag:s8] =	ssyncset.s32 @!p0 $0xFFFFF086;
	s6 =	sadd.s32 @!p0 s3, s7;
	s7 =	simm.s32 @!p0 $0x108  }
0x21: {  	s3 =	sadd.s32 s3, s9;
	s6 =	sadd.s32 @!p0 $0x88, s6;
	s7 =	simm.s32 @p2 $0x1082  }
0x22: {  	[simem:s7], [sflag:s8] =	dma.local @!p0 [hbm:s6], $0xF7A  }
0x23: {  	s9 =	sor.u32 $0xD0000000, s2;
	s6 =	simm.s32 $0x108;
	_ =	swait.ge @!p0 [sflag:s8], $0x0  }
0x24: {  	s3 =	sadd.s32 $0x88, s3;
	s6 =	simm.s32 @!p1 $0x1082;
	[sflag:s4] =	ssyncset.s32 $0xFFFFF086  }
0x25: {  	[simem:s6], [sflag:s4] =	dma.local [hbm:s3], $0xF7A  }
0x26: {  	[smem:$0x3F9E] =	sst s1;
	(tag) =	ssettag s2;
	_ =	strace s9  }
0x27: {  	s1 =	sld [smem:$0x3FAE]  }
0x28: {  	s2 =	sld [smem:$0x3FAF]  }
0x29: {  	s4 =	sld [smem:$0x3FB1]  }
0x2a: {  	p0 =	seq.s32 s5, $0x0;
	s5 =	sld [smem:$0x3FB2]  }
0x2b: {  	s6 =	sld [smem:$0x3FB3]  }
0x2c: {  	s7 =	sld [smem:$0x3FB4]  }
0x2d: {  	s3 =	simm.s32 $0x108;
	s8 =	sld [smem:$0x3FB5]  }
0x2e: {  	s3 =	simm.s32 @!p0 $0x1082;
	s9 =	sld [smem:$0x3FB6]  }
0x2f: {  	lr =	sadd.s32 s0, s3;
	s0 =	sld [smem:$0x3FAD]  }
0x30: {  	s3 =	sld [smem:$0x3FB0]  }
0x31: {  	[smem:$0x3FB9] =	sst s10  }
0x32: {  	s10 =	sld [smem:$0x3FB7];
	_ =	sdelay $0x3  }
0x33: {  	p0 =	seq.s32 s10, $0x1;
	s10 =	sld [smem:$0x3FB9];
	_ =	sdelay $0x3  }
0x34: {  	[smem:$0x3FB9] =	sst s10  }
0x35: {  	s10 =	sld [smem:$0x3FB8];
	_ =	sdelay $0x3  }
0x36: {  	p1 =	seq.s32 s10, $0x1;
	s10 =	sld [smem:$0x3FB9];
	_ =	sdelay $0x3  }
0x37: {  	[smem:$0x3FB9] =	sst s10  }
0x38: {  	s10 =	sld [smem:$0x3FBA]  }
0x39: {  	_ = 	snop;
	(pc) =	sbr.ind lr, $3  }
0x3a: {  	_ = 	snop  }
0x3b: {  	_ = 	snop  }
0x3c: {  	p2 =	seq.s32 s10, $0x1;
	s10 =	sld [smem:$0x3FB9]  }
0x3d: {  	_ =	shalt  }
0x3e: {  	_ =	shalt  }
0x3f: {  	_ =	shalt  }
0x40: {  	_ =	shalt  }
0x41: {  	_ =	shalt  }
0x42: {  	_ =	shalt  }
0x43: {  	_ =	shalt  }
0x44: {  	_ =	shalt  }
0x45: {  	_ =	shalt  }
0x46: {  	_ =	shalt  }
0x47: {  	_ =	shalt  }
0x48: {  	_ =	shalt  }
0x49: {  	_ =	shalt  }
0x4a: {  	_ =	shalt  }
0x4b: {  	_ =	shalt  }
0x4c: {  	_ =	shalt  }
0x4d: {  	_ =	shalt  }
0x4e: {  	_ =	shalt  }
0x4f: {  	_ =	shalt  }
0x50: {  	_ =	shalt  }
0x51: {  	_ =	shalt  }
0x52: {  	_ =	shalt  }
0x53: {  	_ =	shalt  }
0x54: {  	_ =	shalt  }
0x55: {  	_ =	shalt  }
0x56: {  	_ =	shalt  }
0x57: {  	_ =	shalt  }
0x58: {  	_ =	shalt  }
0x59: {  	_ =	shalt  }
0x5a: {  	_ =	shalt  }
0x5b: {  	_ =	shalt  }
0x5c: {  	_ =	shalt  }
0x5d: {  	_ =	shalt  }
0x5e: {  	_ =	shalt  }
0x5f: {  	_ =	shalt  }
0x60: {  	_ =	shalt  }
0x61: {  	_ =	shalt  }
0x62: {  	_ =	shalt  }
0x63: {  	_ =	shalt  }
0x64: {  	_ =	shalt  }
0x65: {  	_ =	shalt  }
0x66: {  	_ =	shalt  }
0x67: {  	_ =	shalt  }
0x68: {  	_ =	shalt  }
0x69: {  	_ =	shalt  }
0x6a: {  	_ =	shalt  }
0x6b: {  	_ =	shalt  }
0x6c: {  	_ =	shalt  }
0x6d: {  	_ =	shalt  }
0x6e: {  	_ =	shalt  }
0x6f: {  	_ =	shalt  }
0x70: {  	_ =	shalt  }
0x71: {  	_ =	shalt  }
0x72: {  	_ =	shalt  }
0x73: {  	_ =	shalt  }
0x74: {  	_ =	shalt  }
0x75: {  	_ =	shalt  }
0x76: {  	_ =	shalt  }
0x77: {  	_ =	shalt  }
0x78: {  	_ =	shalt  }
0x79: {  	_ =	shalt  }
0x7a: {  	_ =	shalt  }
0x7b: {  	_ =	shalt  }
0x7c: {  	_ =	shalt  }
0x7d: {  	_ =	shalt  }
0x7e: {  	_ =	shalt  }
0x7f: {  	_ =	shalt  }
0x80: {  	_ =	shalt  }
0x81: {  	_ =	shalt  }
0x82: {  	_ =	shalt  }
0x83: {  	_ =	shalt  }
0x84: {  	_ =	shalt  }
0x85: {  	_ =	shalt  }
0x86: {  	_ =	shalt  }
0x87: {  	_ =	shalt  }
.Lfunc_end0:
.L_simem_size_0:
called_computation_lowered:
.L_overlay_start_0:
0x88: {  	s2 =	sld [smem:$0x3FD9]  }
0x89: {  	s3 =	sld [smem:$0x3FFE];
	_ =	sdelay $0x1  }
0x8a: {  	s1 =	srdreg.scid  }
0x8b: {  	s0 =	sand.u32 $0x1, s1  }
0x8c: {  	s15 =	sshll.u32 s0, $0xA;
	s2 =	sadd.s32 s3, s2  }
0x8d: {  	s2 =	sadd.s32 s2, s15  }
0x8e: {  	[smem:$0x3FC5] =	sst s2  }
0x8f: {  	_ = 	snop  }
0x90: {  	s2 =	sld [smem:$0x3FD0]  }
0x91: {  	s16 =	sld [smem:$0x3FC9]  }
0x92: {  	s4 =	sld [smem:$0x3FC8]  }
0x93: {  	s6 =	simm.s32 $0xA;
	s7 =	simm.s32 $0x10;
	s5 =	sld [smem:$0x3FC7]  }
0x94: {  	[smem:s7], [sflag:s6] =	dma.local [hbm:s2], $0x1  }
0x95: {  	_ =	swait.eq [sflag:s6], $0x1  }
0x96: {  	s17 =	sld [smem:$0x10]  }
0x97: {  	s18 =	sld [smem:$0x11];
	[sflag:s6] =	ssyncset.done $0x0  }
0x98: {  	s8 =	sld [smem:$0x12];
	[sflag:s6] =	ssyncadd.s32 $0xFFFFFFFF  }
0x99: {  	s19 =	sld [smem:$0x13];
	(tm) =	ssettm $0x1  }
0x9a: {  	s9 =	sld [smem:$0x3FFB];
	_ =	sdelay $0x3  }
0x9b: {  	_ =	strace s9  }
0x9c: {  	s9 =	sld [smem:$0x3FFC];
	_ =	sdelay $0x3  }
0x9d: {  	_ =	strace s9  }
0x9e: {  	s9 =	sld [smem:$0x3FFD];
	_ =	sdelay $0x3  }
0x9f: {  	_ =	strace s9  }
0xa0: {  	_ =	strace $0x8FFFFFFF  }
0xa1: {  	s20 =	sld [smem:$0x3FDB];
	_ =	sdelay $0x1  }
0xa2: {  	s10 =	simm.s32 $_scs_section_size  }
0xa3: {  	s11 =	simm.s32 $_size__tile_overlayer_lowered;
	s12 =	simm.s32 $_tile_overlayer_lowered  }
0xa4: {  	s23 =	simm.s32 $0x1BFF;
	s22 =	sshll.u32 s12, $0x1;
	s9 =	sadd.s32 s10, s20  }
0xa5: {  	s13 =	simm.s32 $0x0;
	s21 =	sshll.u32 s11, $0x1;
	s11 =	sadd.s32 s22, s9  }
0xa6: {  	[timem:s13], [sflag:s23] =	dma.local [hbm:s11], s21  }
0xa7: {  	_ =	swait.ge [sflag:s23], s21  }
0xa8: {  	s10 =	ssub.s32 $0x0, s21;
	[sflag:s23] =	ssyncset.done $0x0  }
0xa9: {  	[sflag:s23] =	ssyncadd.s32 s10;
	_ =	sdelay $0x1  }
0xaa: {  	s24 =	simm.s32 $0x1B8B  }
0xab: {  	_ =	swait.ge [sflag:s24], $0x1  }
0xac: {  	[sflag:s24] =	ssyncset.done $0x0  }
0xad: {  	s25 =	simm.s32 $0x1B8E;
	[sflag:s24] =	ssyncadd.s32 $0xFFFFFFFF  }
0xae: {  	s26 =	simm.s32 $execute0_lowered;
	[smem:$0x3FD2] =	sst s25  }
0xaf: {  	s10 =	sshll.u32 s26, $0x1;
	_ =	strace $0x80000046;
	[dreg:$0x1] =	wrdreg $0xFFFFFFFF  }
0xb0: {  	s28 =	simm.s32 $_size_execute0_lowered;
	s9 =	sadd.s32 s9, s10;
	[dreg:$0x0] =	wrdreg $0x0  }
0xb1: {  	s10 =	sshll.u32 s28, $0x1;
	[dreg:$0x2] =	wrdreg s9  }
0xb2: {  	[dreg:$0x3] =	wrdreg s10  }
0xb3: {  	[dreg:$0x4] =	wrdreg $0xC0  }
0xb4: {  	_ =	task [dreg:s13], $0x5FFFF  }
0xb5: {  	[dreg:$0x1] =	wrdreg $0xFFFFFFFF  }
0xb6: {  	[dreg:$0x0] =	wrdreg $0x60  }
0xb7: {  	[dreg:$0x2] =	wrdreg s16  }
0xb8: {  	[dreg:$0x3] =	wrdreg s4  }
0xb9: {  	[dreg:$0x4] =	wrdreg s5  }
0xba: {  	[dreg:$0x5] =	wrdreg s17  }
0xbb: {  	[dreg:$0x6] =	wrdreg s18  }
0xbc: {  	[dreg:$0x7] =	wrdreg s8  }
0xbd: {  	[dreg:$0x8] =	wrdreg s19  }
0xbe: {  	[dreg:$0x9] =	wrdreg $0x9  }
0xbf: {  	_ =	task.clear_ibuf [dreg:s13], $0xAFFFF;
	_ =	strace $0x90000046  }
0xc0: {  	s29 =	simm.s32 $0x9;
	_ =	strace $0x80000048  }
0xc1: {  	_ =	swait.ge [sflag:s29], $0x1  }
0xc2: {  	[sflag:s29] =	ssyncadd.s32 $0xFFFFFFFF  }
0xc3: {  	_ =	strace $0x90000048  }
0xc4: {  	_ =	sfence  }
0xc5: {  	s30 =	sld [smem:$0x0];
	_ =	sdelay $0x2  }
0xc6: {  	s31 =	sshll.u32 s1, $0xD;
	s1 =	sshrl.u32 s1, $0x2  }
0xc7: {  	s3 =	sand.u32 $0x4000, s31;
	s1 =	sadd.s32 s1, s30  }
0xc8: {  	s0 =	sor.u32 s3, s0;
	s1 =	sshll.u32 s1, $0x11  }
0xc9: {  	s0 =	sor.u32 s1, s0  }
0xca: {  	s0 =	sadd.s32 $0x8F2B, s0  }
0xcb: {  	[sflag:s0] =	ssyncadd.remote.s32 $0x1  }
0xcc: {  	_ =	sfence.sel $0xFFFF  }
0xcd: {  	[dreg:$0x0] =	wrdreg $0xFFFFFFFF;
	(pc) =	sbr.abs _section_cstart, $3  }
0xce: {  	[dreg:$0x1] =	wrdreg $0xFFFFFFFF  }
0xcf: {  	_ =	task.clear_ibuf [dreg:s13], $0x2FFFF;
	_ =	strace $0x9FFFFFFF  }
0xd0: {  	(tm) =	ssettm $0x7FFFFFFF  }
0xd1: {  	_ =	shalt  }
tec
execute0_lowered:
.L_overlay_start_1:
0x0: {  	(tag) =	ssettag $0x1  }
0x1: {  	s0 =	rddreg [dreg:$0x0]  }
0x2: {  	s1 =	rddreg [dreg:$0x1]  }
0x3: {  	s4 =	rddreg [dreg:$0x2]  }
0x4: {  	s5 =	rddreg [dreg:$0x3]  }
0x5: {  	s6 =	rddreg [dreg:$0x4]  }
0x6: {  	s7 =	rddreg [dreg:$0x5]  }
0x7: {  	s8 =	rddreg [dreg:$0x6];
	s2 =	simm.s32 $0x0  }
0x8: {  	s3 =	srdreg.scid;
	s9 =	stileid.u32;
	s28 =	simm.s32 $0x1800  }
0x9: {  	s29 =	simm.s32 $0x2000;
	s30 =	simm.s32 $0x2800;
	s31 =	simm.s32 $0x3000  }
0xa: {  	[smem:$0x7FF] =	sst s2;
	s3 =	sand.u32 $0x1, s3;
	s9 =	sshll.u32 s9, $0x1  }
0xb: {  	_ =	strace $0x80000047;
	s10 =	ssub.s32 $0x2, s3;
	s20 =	sor.u32 s3, s9  }
0xc: {  	s18 =	sshrl.u32 s10, $0x1;
	s9 =	sshll.u32 s20, $0x9;
	s11 =	sshll.u32 s20, $0xB  }
0xd: {  	s24 =	sshll.u32 s20, $0xA;
	s25 =	sshll.u32 s20, $0x8;
	s26 =	sshll.u32 s20, $0x1  }
0xe: {  	s21 =	ssub.s32 s10, s18;
	s3 =	sadd.s32 s0, s9;
	s4 =	sadd.s32 s4, s11  }
0xf: {  	s10 =	sadd.s32 s1, s24;
	s15 =	sor.u32 $0x10, s24;
	s16 =	sor.u32 $0x20, s24  }
0x10: {  	s17 =	sor.u32 $0x30, s24;
	s14 =	sadd.s32 s6, s24;
	s18 =	sadd.s32 s7, s25  }
0x11: {  	s20 =	sadd.s32 s5, s26;
	s24 =	simm.s32 $0x1;
	s0 =	sadd.s32 $0x10, s3  }
0x12: {  	s19 =	sadd.s32 $0x10, s4;
	s22 =	sadd.s32 $0x20, s4;
	s23 =	sadd.s32 $0x30, s4  }
0x13: {  	s9 =	sadd.s32 $0x40, s4;
	s11 =	sadd.s32 s1, s15;
	s12 =	sadd.s32 s1, s16  }
0x14: {  	s13 =	sadd.s32 s1, s17;
	s15 =	sadd.s32 s6, s15;
	[dreg:$0x8] =	wrdreg s0  }
0x15: {  	s16 =	sadd.s32 s6, s16;
	s17 =	sadd.s32 s6, s17;
	[dreg:$0x9] =	wrdreg s19  }
0x16: {  	s21 =	smax.u32 s21, $0x1;
	s1 =	simm.s32 $0x0;
	[dreg:$0xa] =	wrdreg s22  }
0x17: {  	[dreg:$0xb] =	wrdreg s23;
	s19 =	sadd.s32 s8, s25;
	s22 =	simm.s32 $0x80  }
0x18: {  	v0 =	vimm.s32 $0x0;
	vm0 =	vcmask $0x704;
	vm1 =	vcmask $0x3F04;
	s23 =	simm.s32 $0x100;
	s25 =	simm.s32 $0x400;
	s0 =	simm.s32 $0x200  }
.LBB2_1:
0x19: {  	[tilespmem:s2], [sflag:$0x1] =	stream.strided.gather [hbm4b:s3+s22], $0x800, s23, s22, $0x38;
	[tilespmem:$0x6880] =	vst v63  }
0x1a: {  	s5 =	rddreg [dreg:$0x8];
	s6 =	simm.s32 $0x800  }
0x1b: {  	[tilespmem:s6], [sflag:$0x1] =	stream.strided.gather [hbm4b:s5+s22], $0x800, s23, s22, $0x38;
	[tilespmem:$0x6880] =	vst v63  }
0x1c: {  	s6 =	simm.s32 $0x1000  }
0x1d: {  	[tilespmem:s6], [sflag:$0x1] =	stream.strided.gather [hbm4b:s4+s22], $0x800, s25, s22, $0x38;
	[tilespmem:$0x6880] =	vst v63  }
0x1e: {  	s7 =	rddreg [dreg:$0x9]  }
0x1f: {  	[tilespmem:s28], [sflag:$0x1] =	stream.strided.gather [hbm4b:s7+s22], $0x800, s25, s22, $0x38;
	[tilespmem:$0x6880] =	vst v63  }
0x20: {  	s8 =	rddreg [dreg:$0xa]  }
0x21: {  	[tilespmem:s29], [sflag:$0x1] =	stream.strided.gather [hbm4b:s8+s22], $0x800, s25, s22, $0x38;
	[tilespmem:$0x6880] =	vst v63  }
0x22: {  	s26 =	rddreg [dreg:$0xb]  }
0x23: {  	[tilespmem:s30], [sflag:$0x1] =	stream.strided.gather [hbm4b:s26+s22], $0x800, s25, s22, $0x38;
	[tilespmem:$0x6880] =	vst v63  }
0x24: {  	_ = 	snop  }
0x25: {  	[tilespmem:s31], [sflag:$0x1] =	stream.strided.gather [hbm4b:s9+s22], $0x800, s25, s22, $0x38;
	[tilespmem:$0x6880] =	vst v63  }
0x26: {  	s6 =	simm.s32 $0x3800  }
0x27: {  	[tilespmem:s6], [sflag:$0x1] =	stream.strided.gather [hbm4b:s10+s22], $0x800, s0, s22, $0x38;
	[tilespmem:$0x6880] =	vst v63  }
0x28: {  	s7 =	simm.s32 $0x4000  }
0x29: {  	[tilespmem:s7], [sflag:$0x1] =	stream.strided.gather [hbm4b:s11+s22], $0x800, s0, s22, $0x38;
	[tilespmem:$0x6880] =	vst v63  }
0x2a: {  	s8 =	simm.s32 $0x4800  }
0x2b: {  	[tilespmem:s8], [sflag:$0x1] =	stream.strided.gather [hbm4b:s12+s22], $0x800, s0, s22, $0x38;
	[tilespmem:$0x6880] =	vst v63  }
0x2c: {  	s26 =	simm.s32 $0x5000  }
0x2d: {  	[tilespmem:s26], [sflag:$0x1] =	stream.strided.gather [hbm4b:s13+s22], $0x800, s0, s22, $0x38;
	[tilespmem:$0x6880] =	vst v63  }
0x2e: {  	_ =	swait.ge [sflag:s24], $0x800  }
0x2f: {  	[sflag:s24] =	ssyncset.done $0x0  }
0x30: {  	[sflag:s24] =	ssyncadd.s32 $0xFFFFF800  }
0x31: {  	_ =	swait.ge [sflag:s24], $0x800  }
0x32: {  	[sflag:s24] =	ssyncset.done $0x0  }
0x33: {  	[sflag:s24] =	ssyncadd.s32 $0xFFFFF800  }
0x34: {  	_ =	swait.ge [sflag:s24], $0x800  }
0x35: {  	[sflag:s24] =	ssyncset.done $0x0  }
0x36: {  	[sflag:s24] =	ssyncadd.s32 $0xFFFFF800  }
0x37: {  	_ =	swait.ge [sflag:s24], $0x800  }
0x38: {  	[sflag:s24] =	ssyncset.done $0x0  }
0x39: {  	[sflag:s24] =	ssyncadd.s32 $0xFFFFF800  }
0x3a: {  	_ =	swait.ge [sflag:s24], $0x800  }
0x3b: {  	[sflag:s24] =	ssyncset.done $0x0  }
0x3c: {  	[sflag:s24] =	ssyncadd.s32 $0xFFFFF800  }
0x3d: {  	_ =	swait.ge [sflag:s24], $0x800  }
0x3e: {  	[sflag:s24] =	ssyncset.done $0x0  }
0x3f: {  	[sflag:s24] =	ssyncadd.s32 $0xFFFFF800  }
0x40: {  	_ =	swait.ge [sflag:s24], $0x800  }
0x41: {  	[sflag:s24] =	ssyncset.done $0x0  }
0x42: {  	[sflag:s24] =	ssyncadd.s32 $0xFFFFF800  }
0x43: {  	_ =	swait.ge [sflag:s24], $0x800  }
0x44: {  	[sflag:s24] =	ssyncset.done $0x0  }
0x45: {  	[sflag:s24] =	ssyncadd.s32 $0xFFFFF800  }
0x46: {  	_ =	swait.ge [sflag:s24], $0x800  }
0x47: {  	[sflag:s24] =	ssyncset.done $0x0  }
0x48: {  	[sflag:s24] =	ssyncadd.s32 $0xFFFFF800  }
0x49: {  	_ =	swait.ge [sflag:s24], $0x800  }
0x4a: {  	[sflag:s24] =	ssyncset.done $0x0  }
0x4b: {  	[sflag:s24] =	ssyncadd.s32 $0xFFFFF800  }
0x4c: {  	_ =	swait.ge [sflag:s24], $0x800  }
0x4d: {  	[sflag:s24] =	ssyncset.done $0x0  }
0x4e: {  	s6 =	simm.s32 $0x0;
	[sflag:s24] =	ssyncadd.s32 $0xFFFFF800  }
0x4f: {  	v8 =	vld [tilespmem:s6+$0x0]  }
0x50: {  	v9 =	vld [tilespmem:s6+$0x800];
	_ =	sdelay $0x4  }
0x51: {  	v1 =	vsub.f32 v8, v9;
	_ =	sdelay $0x1  }
0x52: {  	v1 =	vand.u32 $0x7FFFFFFF, v1  }
0x53: {  	v2 =	vld [tilespmem:s6+$0x1800];
	v1 =	vsub.f32 $0.0e+00, v1  }
0x54: {  	v3 =	vld [tilespmem:s6+$0x4000]  }
0x55: {  	v4 =	vld [tilespmem:s6+$0x2000];
	v1 =	vmul.f32 $1.442695020e+00, v1  }
0x56: {  	v5 =	vld [tilespmem:s6+$0x4800]  }
0x57: {  	(erf) = vpow2.f32 v1;
	v1 =	vld [tilespmem:s6+$0x3800]  }
0x58: {  	v6 =	vld [tilespmem:s6+$0x2800]  }
0x59: {  	v7 =	vld [tilespmem:s6+$0x5000]  }
0x5a: {  	v12 =	vld [tilespmem:s6+$0x3000];
	_ =	sdelay $0x1  }
0x5b: {  	s26 =	simm.s32 $0x10;
	v10 =	vsub.f32 v1, v2  }
0x5c: {  	v2 =	vld [tilespmem:s26+$0x0]  }
0x5d: {  	v3 =	vsub.f32 v3, v4;
	v1 =	vld [tilespmem:s26+$0x800];
	v11 =	vmul.f32 $5.000000000e-01, v10  }
0x5e: {  	v5 =	vsub.f32 v5, v6;
	v7 =	vsub.f32 v7, v12  }
0x5f: {  	v6 =	vmul.f32 $5.000000000e-01, v3;
	v13 =	vand.u32 $0x7FFFFFFF, v10;
	v4 =	vpop (erf);
	v10 =	vmul.f32 v11, v10  }
0x60: {  	v15 =	vadd.f32 $-5.000000000e-01, v13;
	vm2 =	vlt.f32 v13, $1.000000000e+00;
	v14 =	vadd.f32 $2.000000000e+00, v4  }
0x61: {  	v18 =	vld [tilespmem:s26+$0x2800];
	v11 =	vand.u32 $0x7FFFFFFF, v3;
	v3 =	vmul.f32 v6, v3;
	v10 =	vadd.f32 $0.0e+00, v10  }
0x62: {  	v13 =	vld [tilespmem:s26+$0x1800];
	v6 =	vadd.f32 $-5.000000000e-01, v11;
	v17 =	vsub.f32 v2, v1;
	(erf) = vrcp.f32 v14  }
0x63: {  	v16 =	vmul.f32 $5.000000000e-01, v5;
	v14 =	vld [tilespmem:s26+$0x3800];
	v10 =	vsel vm2, v10, v15;
	vm2 =	vlt.f32 v11, $1.000000000e+00  }
0x64: {  	v12 =	vand.u32 $0x7FFFFFFF, v17;
	v11 =	vand.u32 $0x7FFFFFFF, v5;
	v3 =	vsel vm2, v3, v6;
	v6 =	vld [tilespmem:s26+$0x4000]  }
0x65: {  	v12 =	vsub.f32 $0.0e+00, v12;
	v15 =	vadd.f32 $-5.000000000e-01, v11;
	vm2 =	vlt.f32 v11, $1.000000000e+00;
	v11 =	vld [tilespmem:s26+$0x4800]  }
0x66: {  	v5 =	vmul.f32 v16, v5;
	v16 =	vmul.f32 $5.000000000e-01, v7;
	v3 =	vadd.f32 v3, v10;
	v10 =	vld [tilespmem:s26+$0x2000]  }
0x67: {  	v12 =	vmul.f32 $1.442695020e+00, v12  }
0x68: {  	v17 =	vand.u32 $0x7FFFFFFF, v7;
	v7 =	vmul.f32 v16, v7;
	v13 =	vsub.f32 v14, v13  }
0x69: {  	v5 =	vsel vm2, v5, v15;
	vm2 =	vlt.f32 v17, $1.000000000e+00;
	v14 =	vadd.f32 $-5.000000000e-01, v17  }
0x6a: {  	(erf) = vpow2.f32 v12;
	v5 =	vadd.f32 v5, v3;
	v16 =	vmul.f32 $5.000000000e-01, v13  }
0x6b: {  	v15 =	vld [tilespmem:s26+$0x5000];
	v7 =	vsel vm2, v7, v14;
	v11 =	vsub.f32 v11, v18;
	v6 =	vsub.f32 v6, v10;
	v12 =	vpop (erf)  }
0x6c: {  	v3 =	vld [tilespmem:s26+$0x3000];
	v7 =	vadd.f32 v7, v5;
	v10 =	vmul.f32 v12, v4;
	v12 =	vmul.f32 v16, v13  }
0x6d: {  	v4 =	vand.u32 $0x7FFFFFFF, v13;
	v13 =	vmul.f32 $5.000000000e-01, v6;
	v16 =	vand.u32 $0x7FFFFFFF, v6  }
0x6e: {  	v17 =	vadd.f32 $-5.000000000e-01, v4;
	vm2 =	vlt.f32 v4, $1.000000000e+00;
	v12 =	vadd.f32 $0.0e+00, v12  }
0x6f: {  	v14 =	vmul.f32 v10, v10;
	v6 =	vmul.f32 v13, v6;
	v13 =	vadd.f32 $-5.000000000e-01, v16  }
0x70: {  	s5 =	simm.s32 $0x20;
	v19 =	vmul.f32 $5.000000000e-01, v11;
	v4 =	vsel vm2, v12, v17;
	vm2 =	vlt.f32 v16, $1.000000000e+00  }
0x71: {  	v15 =	vsub.f32 v15, v3;
	v3 =	vld [tilespmem:s5+$0x0];
	v18 =	vmul.f32 $1.111111120e-01, v14;
	v6 =	vsel vm2, v6, v13  }
0x72: {  	v16 =	vand.u32 $0x7FFFFFFF, v11;
	v11 =	vmul.f32 v19, v11;
	v6 =	vadd.f32 v6, v4;
	v4 =	vld [tilespmem:s5+$0x800]  }
0x73: {  	v19 =	vand.u32 $0x7FFFFFFF, v15;
	v17 =	vpop (erf);
	v12 =	vadd.f32 $1.428571340e-01, v18;
	v18 =	vmul.f32 $5.000000000e-01, v15  }
0x74: {  	v13 =	vadd.f32 $-5.000000000e-01, v16;
	vm2 =	vlt.f32 v16, $1.000000000e+00;
	v16 =	vadd.f32 $2.000000000e+00, v17  }
0x75: {  	v20 =	vld [tilespmem:s5+$0x3800];
	v12 =	vmul.f32 v12, v14;
	v15 =	vmul.f32 v18, v15;
	v18 =	vadd.f32 $-5.000000000e-01, v19  }
0x76: {  	v11 =	vsel vm2, v11, v13;
	v13 =	vld [tilespmem:s6+$0x1000];
	vm2 =	vlt.f32 v19, $1.000000000e+00;
	(erf) = vrcp.f32 v16  }
0x77: {  	v16 =	vld [tilespmem:s5+$0x1800];
	v12 =	vadd.f32 $2.000000030e-01, v12;
	v5 =	vsel vm2, v15, v18;
	v15 =	vsub.f32 v3, v4  }
0x78: {  	v11 =	vadd.f32 v11, v6  }
0x79: {  	v19 =	vld [tilespmem:s5+$0x4000];
	v12 =	vmul.f32 v12, v14;
	v15 =	vand.u32 $0x7FFFFFFF, v15  }
0x7a: {  	v21 =	vmax.f32 v8, v9;
	v18 =	vld [tilespmem:s5+$0x2000];
	v5 =	vadd.f32 v5, v11;
	v15 =	vsub.f32 $0.0e+00, v15  }
0x7b: {  	vm2 =	veq.f32 v13, $1.000000000e+00;
	vm3 =	vne.f32 v13, $1.000000000e+00;
	v11 =	vadd.f32 $3.333333430e-01, v12  }
0x7c: {  	v22 =	vld [tilespmem:s5+$0x2800];
	v8 =	vsel vm2, v9, v8;
	v9 =	vsub.f32 v20, v16;
	v13 =	vmul.f32 $1.442695020e+00, v15  }
0x7d: {  	v10 =	vadd.f32 v10, v10;
	v12 =	vld [tilespmem:s5+$0x4800];
	v11 =	vmul.f32 v11, v14  }
0x7e: {  	v6 =	vimm.f32 $0.0e+00;
	v8 =	vsub.f32 v21, v8;
	v16 =	vmul.f32 $5.000000000e-01, v9  }
0x7f: {  	v18 =	vsub.f32 v19, v18;
	v19 =	vld [tilespmem:s5+$0x3000];
	v15 =	vand.u32 $0x7FFFFFFF, v9;
	v11 =	vadd.f32 $1.000000000e+00, v11  }
0x80: {  	v14 =	vld [tilespmem:s5+$0x5000];
	v8 =	vadd.f32 v8, v6;
	v16 =	vmul.f32 v16, v9;
	(erf) = vpow2.f32 v13;
	v13 =	vpop (erf)  }
0x81: {  	vm4 =	vlt.f32 v15, $1.000000000e+00;
	v11 =	vmul.f32 v11, v10;
	v10 =	vmul.f32 v13, v17  }
0x82: {  	v20 =	vsub.f32 v12, v22;
	v12 =	vmul.f32 $5.000000000e-01, v18;
	v16 =	vadd.f32 $0.0e+00, v16  }
0x83: {  	v13 =	vand.u32 $0x7FFFFFFF, v18;
	v9 =	vadd.f32 v11, v8;
	v11 =	vmul.f32 v10, v10  }
0x84: {  	v17 =	vmul.f32 v12, v18;
	v63 =	vmul.f32 $5.000000000e-01, v20;
	v8 =	vadd.f32 $-5.000000000e-01, v15  }
0x85: {  	v12 =	vsub.f32 v14, v19;
	v18 =	vadd.f32 $-5.000000000e-01, v13;
	v19 =	vmul.f32 $1.111111120e-01, v11  }
0x86: {  	v15 =	vand.u32 $0x7FFFFFFF, v20;
	v16 =	vsel vm4, v16, v8;
	vm4 =	vlt.f32 v13, $1.000000000e+00  }
0x87: {  	s7 =	simm.s32 $0x30;
	v14 =	vmul.f32 v63, v20;
	v13 =	vsel vm4, v17, v18;
	v18 =	vadd.f32 $1.428571340e-01, v19  }
0x88: {  	s8 =	simm.s32 $0x100;
	v8 =	vld [tilespmem:s7+$0x0];
	v17 =	vadd.f32 $-5.000000000e-01, v15;
	v13 =	vadd.f32 v13, v16;
	v16 =	vmul.f32 $5.000000000e-01, v12  }
.LBB2_2:
0x89: {  	p0 =	sne.s32 s8, $0x1FC0;
	v19 =	vld [tilespmem:s7+$0x800];
	vm4 =	vlt.f32 v15, $1.000000000e+00;
	v15 =	vand.u32 $0x7FFFFFFF, v12;
	v20 =	vpop (erf);
	v18 =	vmul.f32 v18, v11  }
0x8a: {  	v21 =	vld [tilespmem:s7+$0x3800];
	v22 =	vadd.f32 $2.000000000e+00, v20;
	v14 =	vsel vm4, v14, v17;
	v12 =	vmul.f32 v16, v12  }
0x8b: {  	vm4 =	vlt.f32 v15, $1.000000000e+00;
	v15 =	vadd.f32 $-5.000000000e-01, v15;
	v16 =	vld [tilespmem:s26+$0x1000];
	v17 =	vadd.f32 $2.000000030e-01, v18  }
0x8c: {  	v13 =	vadd.f32 v14, v13;
	v14 =	vnsel vm2, $0x0, v7;
	v7 =	vmovc v5;
	v18 =	vld [tilespmem:s7+$0x1800];
	(erf) = vrcp.f32 v22  }
0x8d: {  	v5 =	vsel vm4, v12, v15;
	v15 =	vsel vm2, $0x1, v0;
	v22 =	vld [tilespmem:s7+$0x4000];
	v12 =	vmul.f32 v17, v11  }
0x8e: {  	v5 =	vadd.f32 v5, v13;
	v13 =	vsel vm3, $0x1, v0;
	v17 =	vsub.f32 v8, v19;
	v23 =	vld [tilespmem:s7+$0x2000];
	[tilespmem:s6+$0x5800] =	vst v15  }
0x8f: {  	v6 =	vadd.f32 v14, v6;
	v15 =	vld [tilespmem:s7+$0x4800];
	v12 =	vadd.f32 $3.333333430e-01, v12;
	[tilespmem:s6+$0x6000] =	vst v13;
	s6 =	smov.u32 s26;
	s26 =	smov.u32 s5;
	s5 =	smov.u32 s7  }
0x90: {  	v13 =	vand.u32 $0x7FFFFFFF, v17;
	v14 =	vld [tilespmem:s5+$0x2800];
	vm2 =	veq.f32 v16, $1.000000000e+00;
	v17 =	vmax.f32 v2, v1  }
0x91: {  	v13 =	vsub.f32 $0.0e+00, v13;
	v24 =	vld [tilespmem:s5+$0x5000];
	v11 =	vmul.f32 v12, v11;
	v25 =	vsel vm2, v1, v2;
	v1 =	vmovc v4;
	v4 =	vmovc v19  }
0x92: {  	vm3 =	vne.f32 v16, $1.000000000e+00;
	v12 =	vsub.f32 v21, v18;
	v2 =	vmovc v3;
	v3 =	vmovc v8;
	v18 =	vld [tilespmem:s5+$0x3000];
	v16 =	vsub.f32 v17, v25  }
0x93: {  	v10 =	vadd.f32 v10, v10;
	v21 =	vmul.f32 $1.442695020e+00, v13;
	v11 =	vadd.f32 $1.000000000e+00, v11  }
0x94: {  	v13 =	vand.u32 $0x7FFFFFFF, v12;
	v17 =	vmul.f32 $5.000000000e-01, v12;
	v19 =	vsub.f32 v22, v23  }
0x95: {  	v9 =	vadd.f32 v16, v9;
	(erf) = vpow2.f32 v21;
	v8 =	vpop (erf);
	v11 =	vmul.f32 v11, v10  }
0x96: {  	v12 =	vmul.f32 v17, v12;
	v14 =	vsub.f32 v15, v14;
	v10 =	vmul.f32 v8, v20  }
0x97: {  	v15 =	vmul.f32 $5.000000000e-01, v19;
	v8 =	vand.u32 $0x7FFFFFFF, v19;
	v9 =	vadd.f32 v11, v9  }
0x98: {  	v16 =	vadd.f32 $-5.000000000e-01, v13;
	v17 =	vadd.f32 $0.0e+00, v12;
	v11 =	vmul.f32 v10, v10  }
.Ltmp0:
0x99: {  	v19 =	vmul.f32 v15, v19;
	v20 =	vadd.f32 $-5.000000000e-01, v8;
	v21 =	vmul.f32 $5.000000000e-01, v14;
	(pc) =	sbr.rel @p0 .LBB2_2-.Ltmp0, $4  }
0x9a: {  	vm4 =	vlt.f32 v13, $1.000000000e+00;
	v12 =	vsub.f32 v24, v18;
	v13 =	vmul.f32 $1.111111120e-01, v11  }
0x9b: {  	v15 =	vand.u32 $0x7FFFFFFF, v14;
	v16 =	vsel vm4, v17, v16;
	vm4 =	vlt.f32 v8, $1.000000000e+00  }
0x9c: {  	s7 =	sshra.s32 s8, $0x2;
	v14 =	vmul.f32 v21, v14;
	v17 =	vsel vm4, v19, v20;
	v18 =	vadd.f32 $1.428571340e-01, v13  }
0x9d: {  	s8 =	sadd.s32 $0x40, s8;
	v13 =	vadd.f32 v17, v16;
	v17 =	vadd.f32 $-5.000000000e-01, v15;
	v16 =	vmul.f32 $5.000000000e-01, v12;
	v8 =	vld [tilespmem:s7+$0x0]  }
0x9e: {  	v19 =	vld [tilespmem:s7+$0x800];
	_ =	sdelay $0x4  }
0x9f: {  	v20 =	vsub.f32 v8, v19;
	_ =	sdelay $0x1  }
0xa0: {  	v20 =	vand.u32 $0x7FFFFFFF, v20  }
0xa1: {  	v21 =	vpop (erf);
	v20 =	vsub.f32 $0.0e+00, v20  }
0xa2: {  	v22 =	vadd.f32 $2.000000000e+00, v21  }
0xa3: {  	v20 =	vmul.f32 $1.442695020e+00, v20  }
0xa4: {  	(erf) = vrcp.f32 v22  }
0xa5: {  	(erf) = vpow2.f32 v20;
	_ =	sdelay $0x7  }
0xa6: {  	v22 =	vpop (erf)  }
0xa7: {  	v18 =	vmul.f32 v18, v11;
	v57 =	vld [tilespmem:s7+$0x3800];
	vm4 =	vlt.f32 v15, $1.000000000e+00;
	v23 =	vand.u32 $0x7FFFFFFF, v12;
	v24 =	vpop (erf)  }
0xa8: {  	v58 =	vld [tilespmem:s26+$0x1000];
	v63 =	vsel vm2, $0x1, v0;
	v7 =	vnsel vm2, $0x0, v7;
	v26 =	vadd.f32 $2.000000000e+00, v24  }
0xa9: {  	v25 =	vld [tilespmem:s7+$0x4000];
	v29 =	vmax.f32 v2, v1;
	v10 =	vadd.f32 v10, v10;
	v55 =	vmax.f32 v3, v4  }
0xaa: {  	v27 =	vld [tilespmem:s7+$0x2000];
	v14 =	vsel vm4, v14, v17;
	v61 =	vmul.f32 v16, v12;
	(erf) = vrcp.f32 v26  }
0xab: {  	v60 =	vld [tilespmem:s7+$0x1800];
	v62 =	vadd.f32 $-5.000000000e-01, v23;
	vm11 =	vlt.f32 v23, $1.000000000e+00;
	v59 =	vadd.f32 $2.000000030e-01, v18  }
0xac: {  	v23 =	vsel vm3, $0x1, v0;
	v6 =	vadd.f32 v7, v6;
	v13 =	vadd.f32 v14, v13  }
0xad: {  	v12 =	vsel vm11, v61, v62;
	v17 =	vmul.f32 v59, v11;
	v31 =	vmul.f32 v22, v21  }
0xae: {  	v12 =	vadd.f32 v12, v13;
	vm2 =	veq.f32 v58, $1.000000000e+00;
	vm3 =	vne.f32 v58, $1.000000000e+00  }
0xaf: {  	v35 =	vsub.f32 v25, v27;
	v17 =	vadd.f32 $3.333333430e-01, v17;
	v36 =	vmul.f32 v31, v31  }
0xb0: {  	v1 =	vsel vm2, v1, v2;
	v2 =	vsub.f32 v57, v60;
	v51 =	vsel vm2, $0x1, v0  }
0xb1: {  	v52 =	vsel vm3, $0x1, v0;
	v1 =	vsub.f32 v29, v1;
	v40 =	vmul.f32 $1.111111120e-01, v36  }
0xb2: {  	v38 =	vand.u32 $0x7FFFFFFF, v35;
	v39 =	vmul.f32 $5.000000000e-01, v35;
	v30 =	vmul.f32 v17, v11  }
0xb3: {  	[tilespmem:s6+$0x5800] =	vst v63;
	v32 =	vand.u32 $0x7FFFFFFF, v2;
	v33 =	vmul.f32 $5.000000000e-01, v2;
	v16 =	vadd.f32 $1.428571340e-01, v40;
	v41 =	vpop (erf)  }
0xb4: {  	v43 =	vadd.f32 $-5.000000000e-01, v38;
	vm13 =	vlt.f32 v38, $1.000000000e+00;
	v26 =	vld [tilespmem:s7+$0x4800];
	[tilespmem:s6+$0x6000] =	vst v23;
	v21 =	vmul.f32 v41, v24  }
0xb5: {  	v1 =	vadd.f32 v1, v9;
	v11 =	vadd.f32 $1.000000000e+00, v30;
	v16 =	vmul.f32 v16, v36;
	v28 =	vld [tilespmem:s7+$0x2800]  }
0xb6: {  	v42 =	vadd.f32 $-5.000000000e-01, v32;
	v2 =	vmul.f32 v33, v2;
	v34 =	vld [tilespmem:s7+$0x5000];
	v45 =	vmul.f32 v21, v21  }
0xb7: {  	v15 =	vmul.f32 v39, v35;
	v10 =	vmul.f32 v11, v10;
	v16 =	vadd.f32 $2.000000030e-01, v16;
	v37 =	vld [tilespmem:s7+$0x3000]  }
0xb8: {  	vm12 =	vlt.f32 v32, $1.000000000e+00;
	v2 =	vadd.f32 $0.0e+00, v2;
	v49 =	vld [tilespmem:s5+$0x1000];
	[tilespmem:s26+$0x5800] =	vst v51;
	v47 =	vmul.f32 $1.111111120e-01, v45  }
0xb9: {  	v15 =	vsel vm13, v15, v43;
	v1 =	vadd.f32 v10, v1;
	v16 =	vmul.f32 v16, v36;
	[tilespmem:s26+$0x6000] =	vst v52  }
0xba: {  	v2 =	vsel vm12, v2, v42;
	v54 =	vld [tilespmem:s7+$0x1000];
	v7 =	vsub.f32 v26, v28;
	v9 =	vadd.f32 $1.428571340e-01, v47  }
0xbb: {  	v5 =	vnsel vm2, $0x0, v5;
	v2 =	vadd.f32 v15, v2;
	v16 =	vadd.f32 $3.333333430e-01, v16  }
0xbc: {  	v14 =	vadd.f32 v31, v31;
	v44 =	vmul.f32 $5.000000000e-01, v7;
	v9 =	vmul.f32 v9, v45  }
0xbd: {  	v11 =	vmul.f32 v16, v36;
	v46 =	vsub.f32 v34, v37;
	v48 =	vand.u32 $0x7FFFFFFF, v7  }
0xbe: {  	v50 =	vadd.f32 $-5.000000000e-01, v48;
	v7 =	vmul.f32 v44, v7;
	v9 =	vadd.f32 $2.000000030e-01, v9  }
0xbf: {  	v11 =	vadd.f32 $1.000000000e+00, v11;
	vm2 =	veq.f32 v54, $1.000000000e+00;
	vm3 =	vlt.f32 v48, $1.000000000e+00  }
0xc0: {  	v7 =	vsel vm3, v7, v50;
	vm3 =	veq.f32 v49, $1.000000000e+00;
	v9 =	vmul.f32 v9, v45  }
0xc1: {  	v20 =	vmul.f32 $5.000000000e-01, v46;
	v53 =	vand.u32 $0x7FFFFFFF, v46;
	v3 =	vsel vm3, v4, v3  }
0xc2: {  	v59 =	vsel vm2, v19, v8;
	v3 =	vsub.f32 v55, v3;
	v57 =	vadd.f32 $3.333333430e-01, v9  }
0xc3: {  	v56 =	vadd.f32 $-5.000000000e-01, v53;
	v58 =	vmul.f32 v11, v14;
	v2 =	vadd.f32 v7, v2  }
0xc4: {  	v1 =	vadd.f32 v3, v1;
	v3 =	vmax.f32 v8, v19;
	v7 =	vmul.f32 v57, v45  }
0xc5: {  	v13 =	vmul.f32 v20, v46;
	v60 =	vadd.f32 v21, v21;
	v3 =	vsub.f32 v3, v59  }
0xc6: {  	vm14 =	vlt.f32 v53, $1.000000000e+00;
	v1 =	vadd.f32 v58, v1;
	v7 =	vadd.f32 $1.000000000e+00, v7  }
0xc7: {  	v61 =	vadd.f32 v5, v6;
	v4 =	vsel vm14, v13, v56;
	v62 =	vnsel vm3, $0x0, v12  }
0xc8: {  	v2 =	vadd.f32 v4, v2;
	v1 =	vadd.f32 v3, v1;
	v63 =	vmul.f32 v7, v60  }
0xc9: {  	v3 =	vadd.f32 v62, v61  }
0xca: {  	v2 =	vnsel vm2, $0x0, v2;
	v1 =	vadd.f32 v63, v1  }
0xcb: {  	v2 =	vadd.f32 v2, v3  }
0xcc: {  	(xrf2) =	vadd.scan.msk.f32 $0xffff, v1  }
0xcd: {  	(xrf2) =	vadd.scan.msk.f32 $0xffff, v2;
	_ =	sdelay $0x8  }
0xce: {  	v1, _, _ =	vpop (xrf2)  }
0xcf: {  	vm15 =	vne.f32 v49, $1.000000000e+00;
	v2 =	vsel vm3, $0x1, v0;
	v3, _, _ =	vpop (xrf2)  }
0xd0: {  	[tilespmem:s5+$0x5800] =	vst v2;
	v2 =	vsel vm15, $0x1, v0;
	v3 =	vbroadcast v3, $0xF  }
0xd1: {  	vm3 =	vne.f32 v54, $1.000000000e+00;
	[tilespmem:s5+$0x6000] =	vst v2;
	v2 =	vsel vm2, $0x1, v0;
	v1 =	vbroadcast v1, $0xF  }
0xd2: {  	[tilespmem:s7+$0x5800] =	vst v2;
	v2 =	vsel vm3, $0x1, v0;
	v3 =	vnsel vm0, $0x0, v3  }
0xd3: {  	[tilespmem:s7+$0x6000] =	vst v2;
	v1 =	vsel vm1, v3, v1  }
0xd4: {  	[tilespmem:$0x6800] =	vst v1  }
0xd5: {  	[hbm4b:s14+s22] =	stream.strided.scatter [tilespmem:s28], [sflag:$0x1], $0x800, s0, s22, $0x38;
	[tilespmem:$0x6880] =	vst v63  }
0xd6: {  	_ = 	snop  }
0xd7: {  	[hbm4b:s15+s22] =	stream.strided.scatter [tilespmem:s29], [sflag:$0x1], $0x800, s0, s22, $0x38;
	[tilespmem:$0x6880] =	vst v63  }
0xd8: {  	_ = 	snop  }
0xd9: {  	[hbm4b:s16+s22] =	stream.strided.scatter [tilespmem:s30], [sflag:$0x1], $0x800, s0, s22, $0x38;
	[tilespmem:$0x6880] =	vst v63  }
0xda: {  	_ = 	snop  }
0xdb: {  	[hbm4b:s17+s22] =	stream.strided.scatter [tilespmem:s31], [sflag:$0x1], $0x800, s0, s22, $0x38;
	[tilespmem:$0x6880] =	vst v63  }
0xdc: {  	s7 =	simm.s32 $0x5800  }
0xdd: {  	[hbm4b:s18+s2] =	stream.linear.scatter [tilespmem:s7], [sflag:$0x1], $0x800, $0x38;
	[tilespmem:$0x6880] =	vst v63  }
0xde: {  	s8 =	simm.s32 $0x6000  }
0xdf: {  	[hbm4b:s19+s2] =	stream.linear.scatter [tilespmem:s8], [sflag:$0x1], $0x800, $0x38;
	[tilespmem:$0x6880] =	vst v63  }
0xe0: {  	s26 =	simm.s32 $0x6800  }
0xe1: {  	[hbm4b:s20+s2] =	stream.linear.scatter [tilespmem:s26], [sflag:$0x1], $0x10, $0x38;
	[tilespmem:$0x6880] =	vst v63  }
0xe2: {  	_ =	swait.ge [sflag:s24], $0x800  }
0xe3: {  	[sflag:s24] =	ssyncset.done $0x0  }
0xe4: {  	[sflag:s24] =	ssyncadd.s32 $0xFFFFF800  }
0xe5: {  	_ =	swait.ge [sflag:s24], $0x800  }
0xe6: {  	[sflag:s24] =	ssyncset.done $0x0  }
0xe7: {  	[sflag:s24] =	ssyncadd.s32 $0xFFFFF800  }
0xe8: {  	_ =	swait.ge [sflag:s24], $0x800  }
0xe9: {  	[sflag:s24] =	ssyncset.done $0x0  }
0xea: {  	[sflag:s24] =	ssyncadd.s32 $0xFFFFF800  }
0xeb: {  	_ =	swait.ge [sflag:s24], $0x800  }
0xec: {  	[sflag:s24] =	ssyncset.done $0x0  }
0xed: {  	[sflag:s24] =	ssyncadd.s32 $0xFFFFF800  }
0xee: {  	_ =	swait.ge [sflag:s24], $0x800  }
0xef: {  	[sflag:s24] =	ssyncset.done $0x0  }
0xf0: {  	s1 =	sadd.s32 $0x1, s1;
	[sflag:s24] =	ssyncadd.s32 $0xFFFFF800  }
0xf1: {  	p0 =	sne.s32 s1, s21;
	_ =	swait.ge [sflag:s24], $0x800  }
.Ltmp1:
0xf2: {  	[sflag:s24] =	ssyncset.done $0x0;
	(pc) =	sbr.rel @p0 .LBB2_1-.Ltmp1, $4  }
0xf3: {  	[sflag:s24] =	ssyncadd.s32 $0xFFFFF800  }
0xf4: {  	_ =	swait.ge [sflag:s24], $0x10  }
0xf5: {  	[sflag:s24] =	ssyncset.done $0x0  }
0xf6: {  	[sflag:s24] =	ssyncadd.s32 $0xFFFFFFF0  }
0xf7: {  	_ =	sfence.sel $0x180000  }
0xf8: {  	[bflag:$0x0] =	sbarrier.arrive $0xFFFF  }
0xf9: {  	_ =	strace $0x90000047  }
0xfa: {  	s0 =	stileid.u32;
	[bflag:$0x2] =	sbarrier.arrive $0xFFFF  }
0xfb: {  	p0 =	sne.s32 s0, $0x0;
	s0 =	rddreg [dreg:$0x7]  }
0xfc: {  	s0 =	sadd.s32 @!p0 $0x100000, s0  }
0xfd: {  	[sflag:s0] =	ssyncadd.tile.s32 @!p0 $0x1;
	_ =	shalt  }
.Lfunc_end2:
_tile_overlayer_lowered:
.L_overlay_start_2:
0xfe: {  	(tag) =	ssettag $0x2  }
0xff: {  	s0 =	rddreg [dreg:$0x0];
	s2 =	stileid.u32  }
0x100: {  	s1 =	rddreg [dreg:$0x1];
	p0 =	sne.s32 s2, $0x0  }
0x101: {  	s3 =	rddreg [dreg:$0x2];
	[bflag:$0x3] =	sbarrier.arrive $0xFFFF;
	s2 =	simm.s32 @!p0 $0x1C02  }
0x102: {  	[timem:s3], [sflag:s2] =	dma.local @!p0 [hbm:s0], s1  }
0x103: {  	s0 =	simm.s32 @!p0 $0x2  }
0x104: {  	_ =	swait.ge @!p0 [sflag:s0], s1  }
0x105: {  	s1 =	ssub.s32 @!p0 $0x0, s1;
	[sflag:s0] =	ssyncset.done @!p0 $0x0  }
0x106: {  	[sflag:s0] =	ssyncadd.s32 @!p0 s1  }
0x107: {  	[bflag:$0x3] =	sbarrier.arrive $0xFFFF  }
0x108: {  	_ =	shalt  }

</sc_bundles>
